<compile_context>
chip_gen: v7x
topology: tpu7x:2x2x1
jax: 0.10.2.dev20260603
libtpu: 0.0.44.dev20260713+nightly
codegen_flags: <defaults>
</compile_context>

<pallas_src>
import functools

import jax
import jax.numpy as jnp
from jax import lax
from jax.experimental import pallas as pl
from jax.experimental.pallas import tpu as pltpu
from jax.experimental.pallas import tpu_sc as plsc

_VOCAB = 1000000
_DIM = 32
_B = 16384
_C = 20

_NC = 2
_NS = 16
_NW = _NC * _NS
_BPW = _B // _NW
_CHUNK = 64
_NCHUNK = _BPW // _CHUNK
_CTX_PER_CHUNK = _CHUNK * _C
_IDXW = 128
_CIDX_ROWS = _BPW // _IDXW
_XIDX_ROWS = (_BPW * _C) // _IDXW
_XROWS_PER_CHUNK = _CTX_PER_CHUNK // _IDXW

_LN2 = 0.6931471805599453


def _vlog(x):
  bits = plsc.bitcast(x, jnp.int32)
  e = (bits >> 23) - 127
  m = plsc.bitcast((bits & 0x7FFFFF) | 0x3F800000, jnp.float32)
  t = (m - 1.0) / (m + 1.0)
  t2 = t * t
  p = jnp.float32(1.0 / 11.0)
  p = p * t2 + jnp.float32(1.0 / 9.0)
  p = p * t2 + jnp.float32(1.0 / 7.0)
  p = p * t2 + jnp.float32(1.0 / 5.0)
  p = p * t2 + jnp.float32(1.0 / 3.0)
  p = p * t2 + jnp.float32(1.0)
  return e.astype(jnp.float32) * jnp.float32(_LN2) + 2.0 * t * p


_NFULL = _VOCAB // _IDXW
_TAIL0 = (_VOCAB // 64) * 64 - 64
_TAILW = _VOCAB - _TAIL0
_PACKR = _VOCAB * _DIM // _IDXW
_SBW = 512
_NSB = _TAIL0 // _SBW
_SBR = _SBW // 4
_NITER = (_NSB // _NW + 1) // 2
_PPITCH = 132


def _pack_body(ttab, ttail, tout, va, vb, oa, ob, opad,
               semi_a, semi_b, semo_a, semo_b):
  wid = lax.axis_index("s") * _NC + lax.axis_index("c")
  lane = lax.iota(jnp.int32, 16)
  rowc = lane >> 2
  colc = (lane & 3) * 33

  def in_copy(sb, buf, sem):
    return pltpu.make_async_copy(
        ttab.at[:, pl.ds(pl.multiple_of(sb * _SBW, _SBW), _SBW)], buf, sem)

  def out_copy(sb, buf, sem):
    return pltpu.make_async_copy(
        buf, tout.at[pl.ds(pl.multiple_of(sb * _SBR, _SBR), _SBR)], sem)

  base_sc = rowc * _PPITCH + colc

  def transpose(vbuf, obuf):
    def ph1(d, c2):
      dv = base_sc + jnp.broadcast_to(d, (16,))
      for c in range(_SBW // 16):
        plsc.store_scatter(
            opad, [dv + (4 * _PPITCH) * c], vbuf[d, pl.ds(16 * c, 16)])
      return c2

    lax.fori_loop(0, 32, ph1, jnp.int32(0))

    pcols = [lane + (33 * j + 16 * h) for j in range(4) for h in range(2)]

    def ph2(rr, c2):
      rv = jnp.broadcast_to(rr * _PPITCH, (16,))
      for t, cvec in enumerate(pcols):
        obuf[rr, pl.ds(16 * t, 16)] = plsc.load_gather(opad, [rv + cvec])
      return c2

    lax.fori_loop(0, _SBR, ph2, jnp.int32(0))

  in_copy(wid, va, semi_a).start()
  in_copy(wid + _NW, vb, semi_b).start()

  def iter_body(i, carry):
    sb_a = wid + 2 * i * _NW
    in_copy(sb_a, va, semi_a).wait()

    @pl.when(i > 0)
    def _wa():
      out_copy(sb_a - 2 * _NW, oa, semo_a).wait()

    transpose(va, oa)
    out_copy(sb_a, oa, semo_a).start()

    @pl.when(i < _NITER - 1)
    def _na():
      in_copy(sb_a + 2 * _NW, va, semi_a).start()

    sb_b = sb_a + _NW

    @pl.when(sb_b < _NSB)
    def _bphase():
      in_copy(sb_b, vb, semi_b).wait()

      @pl.when(i > 0)
      def _wb():
        out_copy(sb_b - 2 * _NW, ob, semo_b).wait()

      transpose(vb, ob)
      out_copy(sb_b, ob, semo_b).start()

      @pl.when(sb_b + 2 * _NW < _NSB)
      def _nb():
        in_copy(sb_b + 2 * _NW, vb, semi_b).start()

    return carry

  lax.fori_loop(0, _NITER, iter_body, jnp.int32(0))

  out_copy(wid + 2 * (_NITER - 1) * _NW, oa, semo_a).wait()
  sb_b_last = jnp.where(wid == 0, _NSB - 1,
                        wid + _NW + 2 * (_NITER - 2) * _NW)
  out_copy(sb_b_last, ob, semo_b).wait()

  @pl.when(wid == _NW - 1)
  def _tail():
    pltpu.sync_copy(ttail, oa.at[pl.ds(0, _TAILW // 4)])
    pltpu.sync_copy(oa.at[pl.ds(0, _TAILW // 4)],
                    tout.at[pl.ds(_PACKR - _TAILW // 4, _TAILW // 4)])


@jax.jit
def _pack_target(ttab_t, ttail):
  mesh = plsc.VectorSubcoreMesh(core_axis_name="c", subcore_axis_name="s")
  f = pl.kernel(
      _pack_body,
      out_type=jax.ShapeDtypeStruct((_PACKR, _IDXW), jnp.float32),
      mesh=mesh,
      compiler_params=pltpu.CompilerParams(
          needs_layout_passes=False, use_tc_tiling_on_sc=True),
      scratch_types=[
          pltpu.VMEM((32, _SBW), jnp.float32),
          pltpu.VMEM((32, _SBW), jnp.float32),
          pltpu.VMEM((_SBR, _IDXW), jnp.float32),
          pltpu.VMEM((_SBR, _IDXW), jnp.float32),
          pltpu.VMEM((_SBR * _PPITCH,), jnp.float32),
          pltpu.SemaphoreType.DMA,
          pltpu.SemaphoreType.DMA,
          pltpu.SemaphoreType.DMA,
          pltpu.SemaphoreType.DMA,
      ],
  )
  return f(ttab_t, ttail)


def _body(cidx_hbm, xidx_hbm, target_hbm, context_hbm, out_hbm,
          cidx_v, cdma_v, xidx_v, crows0, crows1, xbuf0, xbuf1, svals, ovec,
          sem_c0, sem_c1, sem_x0, sem_x1):
  wid = lax.axis_index("s") * _NC + lax.axis_index("c")
  lane = lax.iota(jnp.int32, 16)
  lane16 = lane + 16

  pltpu.sync_copy(cidx_hbm.at[pl.ds(wid * _CIDX_ROWS, _CIDX_ROWS)], cidx_v)
  pltpu.sync_copy(xidx_hbm.at[pl.ds(wid * _XIDX_ROWS, _XIDX_ROWS)], xidx_v)

  def shift_body(r, carry):
    for k in range(8):
      v = cidx_v[r, pl.ds(k * 16, 16)]
      cdma_v[r, pl.ds(k * 16, 16)] = v >> 2
      cidx_v[r, pl.ds(k * 16, 16)] = (v & 3) * 32
    return carry

  lax.fori_loop(0, _CIDX_ROWS, shift_body, jnp.int32(0))

  xbufs = (xbuf0, xbuf1)
  sems = (sem_x0, sem_x1)
  cbufs = (crows0, crows1)
  csems = (sem_c0, sem_c1)

  def start_ctx(j):
    buf = xbufs[j % 2]
    for k in range(_XROWS_PER_CHUNK):
      pltpu.make_async_copy(
          context_hbm.at[xidx_v.at[j * _XROWS_PER_CHUNK + k]],
          buf.at[pl.ds(k * _IDXW, _IDXW)], sems[j % 2]).start()

  def wait_ctx(j):
    buf = xbufs[j % 2]
    for k in range(_XROWS_PER_CHUNK):
      pltpu.make_async_copy(
          context_hbm.at[xidx_v.at[j * _XROWS_PER_CHUNK + k]],
          buf.at[pl.ds(k * _IDXW, _IDXW)], sems[j % 2]).wait()

  def ctr_copy(j):
    return pltpu.make_async_copy(
        target_hbm.at[cdma_v.at[j >> 1, pl.ds((j & 1) * _CHUNK, _CHUNK)]],
        cbufs[j % 2], csems[j % 2])

  start_ctx(0)
  ctr_copy(0).start()

  tail_mask = lane < (_C - 16)
  zeros = jnp.zeros((16,), jnp.float32)

  t_acc = zeros
  for j in range(_NCHUNK):
    if j + 1 < _NCHUNK:
      start_ctx(j + 1)
      ctr_copy(j + 1).start()
    wait_ctx(j)
    ctr_copy(j).wait()
    xb = xbufs[j % 2]
    cb = cbufs[j % 2]

    def row_body(r, t_acc, j=j, xb=xb, cb=cb):
      row = j * _CHUNK + r
      cv = plsc.load_gather(
          cidx_v, [jnp.broadcast_to(row >> 7, (16,)),
                   jnp.broadcast_to(row & 127, (16,))])
      rv = jnp.broadcast_to(r, (16,))
      c0 = plsc.load_gather(cb, [rv, cv + lane])
      c1 = plsc.load_gather(cb, [rv, cv + lane16])
      l1 = zeros
      l2 = zeros
      for c in range(_C):
        x0 = xb[r * _C + c, pl.ds(0, 16)]
        x1 = xb[r * _C + c, pl.ds(16, 16)]
        s = jnp.sum(c0 * x0 + c1 * x1)
        if c < 16:
          l1 = jnp.where(lane == c, s, l1)
        else:
          l2 = jnp.where(lane == c - 16, s, l2)
      e = jnp.exp(l1) + jnp.where(tail_mask, jnp.exp(l2), 0.0)
      plsc.store_scatter(svals, [jnp.broadcast_to(row, (16,))],
                         jnp.broadcast_to(jnp.sum(e), (16,)),
                         mask=lane == 0)
      return t_acc + l1 + jnp.where(tail_mask, l2, zeros)

    t_acc = lax.fori_loop(0, _CHUNK, row_body, t_acc)

  def log_body(g, acc):
    return acc + _vlog(svals[pl.ds(g * 16, 16)])

  lse_acc = lax.fori_loop(0, _BPW // 16, log_body, zeros)

  p_lse = jnp.sum(lse_acc)
  p_t = jnp.sum(t_acc)
  ovec[...] = jnp.where(lane == 0, p_lse, jnp.where(lane == 1, p_t, 0.0))
  pltpu.sync_copy(ovec, out_hbm.at[wid])


@jax.jit
def _block2vec_partials(cidx, xidx, target_table, context_table):
  mesh = plsc.VectorSubcoreMesh(core_axis_name="c", subcore_axis_name="s")
  f = pl.kernel(
      _body,
      out_type=jax.ShapeDtypeStruct((_NW, 16), jnp.float32),
      mesh=mesh,
      compiler_params=pltpu.CompilerParams(
          needs_layout_passes=False, use_tc_tiling_on_sc=False),
      scratch_types=[
          pltpu.VMEM((_CIDX_ROWS, _IDXW), jnp.int32),
          pltpu.VMEM((_CIDX_ROWS, _IDXW), jnp.int32),
          pltpu.VMEM((_XIDX_ROWS, _IDXW), jnp.int32),
          pltpu.VMEM((_CHUNK, _IDXW), jnp.float32),
          pltpu.VMEM((_CHUNK, _IDXW), jnp.float32),
          pltpu.VMEM((_CTX_PER_CHUNK, _DIM), jnp.float32),
          pltpu.VMEM((_CTX_PER_CHUNK, _DIM), jnp.float32),
          pltpu.VMEM((_BPW,), jnp.float32),
          pltpu.VMEM((16,), jnp.float32),
          pltpu.SemaphoreType.DMA,
          pltpu.SemaphoreType.DMA,
          pltpu.SemaphoreType.DMA,
          pltpu.SemaphoreType.DMA,
      ],
  )
  return f(cidx, xidx, target_table, context_table)


def kernel(center_tiles, context_tiles, target_table, context_table):
  cidx = center_tiles.astype(jnp.int32).reshape(_B // _IDXW, _IDXW)
  xidx = context_tiles.astype(jnp.int32).reshape((_B * _C) // _IDXW, _IDXW)
  ttail = target_table[_TAIL0:].reshape(_TAILW // 4, _IDXW)
  tpk = _pack_target(target_table.T, ttail)
  partials = _block2vec_partials(cidx, xidx, tpk, context_table)
  sum_lse = jnp.sum(partials[:, 0])
  sum_logits = jnp.sum(partials[:, 1])
  return sum_lse / _B - sum_logits / (_B * _C)

# --- scband reference (transcript-rebuilt; emitter-appended) ---
"""Pipeline reference for scband-block2-vec-model-11570641895911 (READ-ONLY COPY).

The authoritative reference and input builder live on the scoring server;
editing this copy changes nothing except your own understanding.
"""

import jax, jax.numpy as jnp
import numpy as np

VOCAB = 1000000
DIM = 32
B = 16384
C = 20


def setup_inputs(seed: int = 0) -> dict:
    key = jax.random.key(seed)
    k1, k2, k3, k4 = jax.random.split(key, 4)
    center_tiles = jax.random.randint(k1, (B,), 0, VOCAB)
    context_tiles = jax.random.randint(k2, (B, C), 0, VOCAB)
    target_table = jax.random.normal(k3, (VOCAB, DIM), dtype=jnp.float32) * 0.02
    context_table = jax.random.normal(k4, (VOCAB, DIM), dtype=jnp.float32) * 0.02
    return {
        "center_tiles": center_tiles,
        "context_tiles": context_tiles,
        "target_table": target_table,
        "context_table": context_table,
    }


def reference(center_tiles, context_tiles, target_table, context_table):
    # nn.Embedding lookup -> row gather
    center_embeds = jnp.take(target_table, center_tiles, axis=0)        # (B, DIM)
    context_embeds = jnp.take(context_table, context_tiles, axis=0)     # (B, C, DIM)
    # logits = einsum('be,bce->bc')
    logits = jnp.einsum('be,bce->bc', center_embeds, context_embeds)    # (B, C)
    log_probs = jax.nn.log_softmax(logits, axis=1)
    loss = -jnp.mean(log_probs)
    return loss

if __name__ == "__main__":
    import jax
    _d = setup_inputs()
    print(jax.jit(kernel)(*tuple(_d.values())))

</pallas_src>

<mosaic_0001>
#map = affine_map<(d0, d1) -> (0, 0)>
module attributes {stable_mosaic.version = 14 : i64} {
  func.func @_pack_body(%arg0: i32, %arg1: i32, %arg2: memref<32x1000000xf32, #tpu.memory_space<hbm>>, %arg3: memref<16x128xf32, #tpu.memory_space<hbm>>, %arg4: memref<250000x128xf32, #tpu.memory_space<hbm>>, %arg5: memref<32x512xf32, #tpu.memory_space<vmem>>, %arg6: memref<32x512xf32, #tpu.memory_space<vmem>>, %arg7: memref<128x128xf32, #tpu.memory_space<vmem>>, %arg8: memref<128x128xf32, #tpu.memory_space<vmem>>, %arg9: memref<16896xf32, #tpu.memory_space<vmem>>, %arg10: memref<!tpu.dma_semaphore, #tpu.memory_space<semaphore_mem>>, %arg11: memref<!tpu.dma_semaphore, #tpu.memory_space<semaphore_mem>>, %arg12: memref<!tpu.dma_semaphore, #tpu.memory_space<semaphore_mem>>, %arg13: memref<!tpu.dma_semaphore, #tpu.memory_space<semaphore_mem>>) attributes {dimension_semantics = [#tpu.dimension_semantics<core_parallel>, #tpu.dimension_semantics<subcore_parallel>], iteration_bounds = array<i64: 2, 16>, scalar_prefetch = 0 : i64, scratch_operands = 9 : i64, tpu.core_type = #tpu.core_type<sc_vector_subcore>, window_params = [{transform_indices = #map}, {transform_indices = #map}, {transform_indices = #map}]} {
    %mul3A = arith.constant 2 : i32
    %mul3A_0 = arith.muli %arg1, %mul3A : i32
    %add3A = arith.addi %mul3A_0, %arg0 : i32
    %iota3A = tpu.iota {dimensions = array<i32: 0>} : vector<16xi32>
    %shift_right_arithmetic3A = arith.constant 2 : i32
    %shift_right_arithmetic3A_1 = vector.broadcast %shift_right_arithmetic3A : i32 to vector<16xi32>
    %shift_right_arithmetic3A_2 = arith.shrsi %iota3A, %shift_right_arithmetic3A_1 : vector<16xi32>
    %and3A = arith.constant 3 : i32
    %and3A_3 = vector.broadcast %and3A : i32 to vector<16xi32>
    %and3A_4 = arith.andi %iota3A, %and3A_3 : vector<16xi32>
    %mul3A_5 = arith.constant 33 : i32
    %mul3A_6 = vector.broadcast %mul3A_5 : i32 to vector<16xi32>
    %mul3A_7 = arith.muli %and3A_4, %mul3A_6 : vector<16xi32>
    %mul3A_8 = arith.constant 132 : i32
    %mul3A_9 = vector.broadcast %mul3A_8 : i32 to vector<16xi32>
    %mul3A_10 = arith.muli %shift_right_arithmetic3A_2, %mul3A_9 : vector<16xi32>
    %add3A_11 = arith.addi %mul3A_10, %mul3A_7 : vector<16xi32>
    %mul3A_12 = arith.constant 512 : i32
    %mul3A_13 = arith.muli %add3A, %mul3A_12 : i32
    %multiple_of3A = tpu.assume_multiple %mul3A_13, 512 : i32
    %dma_start3A = arith.constant 0 : i32
    %dma_start3A_14 = tpu.memref_slice %arg2[%dma_start3A, %multiple_of3A] : memref<32x1000000xf32, #tpu.memory_space<hbm>> -> memref<32x512xf32, #tpu.memory_space<hbm>>
    %dma_start3A_15 = arith.constant 0 : i32
    %dma_start3A_16 = tpu.memref_slice %arg2[%dma_start3A_15, %multiple_of3A] : memref<32x1000000xf32, #tpu.memory_space<hbm>> -> memref<32x512xf32, #tpu.memory_space<hbm>>
    tpu.enqueue_dma source(%dma_start3A_16 : memref<32x512xf32, #tpu.memory_space<hbm>>) target(%arg5 : memref<32x512xf32, #tpu.memory_space<vmem>>) target_semaphore(%arg10 : memref<!tpu.dma_semaphore, #tpu.memory_space<semaphore_mem>>)
    %add3A_17 = arith.constant 32 : i32
    %add3A_18 = arith.addi %add3A, %add3A_17 : i32
    %mul3A_19 = arith.constant 512 : i32
    %mul3A_20 = arith.muli %add3A_18, %mul3A_19 : i32
    %multiple_of3A_21 = tpu.assume_multiple %mul3A_20, 512 : i32
    %dma_start3A_22 = arith.constant 0 : i32
    %dma_start3A_23 = tpu.memref_slice %arg2[%dma_start3A_22, %multiple_of3A_21] : memref<32x1000000xf32, #tpu.memory_space<hbm>> -> memref<32x512xf32, #tpu.memory_space<hbm>>
    %dma_start3A_24 = arith.constant 0 : i32
    %dma_start3A_25 = tpu.memref_slice %arg2[%dma_start3A_24, %multiple_of3A_21] : memref<32x1000000xf32, #tpu.memory_space<hbm>> -> memref<32x512xf32, #tpu.memory_space<hbm>>
    tpu.enqueue_dma source(%dma_start3A_25 : memref<32x512xf32, #tpu.memory_space<hbm>>) target(%arg6 : memref<32x512xf32, #tpu.memory_space<vmem>>) target_semaphore(%arg11 : memref<!tpu.dma_semaphore, #tpu.memory_space<semaphore_mem>>)
    %scan3A = arith.constant 0 : i32
    %scan3A_26 = arith.constant 0 : i32
    %scan3A_27 = arith.constant 31 : i32
    %scan3A_28 = arith.addi %scan3A_26, %scan3A_27 : i32
    %scan3A_29 = arith.constant 1 : i32
    scf.for %scan3A_54 = %scan3A_26 to %scan3A_28 step %scan3A_29  : i32 {
      %mul3A_55 = arith.constant 2 : i32
      %mul3A_56 = arith.muli %mul3A_55, %scan3A_54 : i32
      %mul3A_57 = arith.constant 32 : i32
      %mul3A_58 = arith.muli %mul3A_56, %mul3A_57 : i32
      %add3A_59 = arith.addi %add3A, %mul3A_58 : i32
      %mul3A_60 = arith.constant 512 : i32
      %mul3A_61 = arith.muli %add3A_59, %mul3A_60 : i32
      %multiple_of3A_62 = tpu.assume_multiple %mul3A_61, 512 : i32
      %dma_wait3A_63 = arith.constant 0 : i32
      %dma_wait3A_64 = tpu.memref_slice %arg2[%dma_wait3A_63, %multiple_of3A_62] : memref<32x1000000xf32, #tpu.memory_space<hbm>> -> memref<32x512xf32, #tpu.memory_space<hbm>>
      %dma_wait3A_65 = arith.constant 0 : i32
      %dma_wait3A_66 = tpu.memref_slice %arg2[%dma_wait3A_65, %multiple_of3A_62] : memref<32x1000000xf32, #tpu.memory_space<hbm>> -> memref<32x512xf32, #tpu.memory_space<hbm>>
      tpu.wait_dma2 semaphore(%arg10 : memref<!tpu.dma_semaphore, #tpu.memory_space<semaphore_mem>>) src(%dma_wait3A_66 : memref<32x512xf32, #tpu.memory_space<hbm>>) dst(%arg5 : memref<32x512xf32, #tpu.memory_space<vmem>>)
      %gt3A = arith.constant 0 : i32
      %gt3A_67 = arith.cmpi sgt, %scan3A_54, %gt3A : i32
      %convert_element_type3A_68 = arith.extui %gt3A_67 : i1 to i32
      %cond3A_69 = arith.constant 0 : i32
      %cond3A_70 = arith.cmpi ne, %convert_element_type3A_68, %cond3A_69 : i32
      scf.if %cond3A_70 {
        %sub3A = arith.constant 64 : i32
        %sub3A_125 = arith.subi %add3A_59, %sub3A : i32
        %mul3A_126 = arith.constant 128 : i32
        %mul3A_127 = arith.muli %sub3A_125, %mul3A_126 : i32
        %multiple_of3A_128 = tpu.assume_multiple %mul3A_127, 128 : i32
        %dma_wait3A_129 = arith.constant 0 : i32
        %dma_wait3A_130 = tpu.memref_slice %arg4[%multiple_of3A_128, %dma_wait3A_129] : memref<250000x128xf32, #tpu.memory_space<hbm>> -> memref<128x128xf32, #tpu.memory_space<hbm>>
        %dma_wait3A_131 = arith.constant 0 : i32
        %dma_wait3A_132 = tpu.memref_slice %arg4[%multiple_of3A_128, %dma_wait3A_131] : memref<250000x128xf32, #tpu.memory_space<hbm>> -> memref<128x128xf32, #tpu.memory_space<hbm>>
        tpu.wait_dma2 semaphore(%arg12 : memref<!tpu.dma_semaphore, #tpu.memory_space<semaphore_mem>>) src(%arg7 : memref<128x128xf32, #tpu.memory_space<vmem>>) dst(%dma_wait3A_132 : memref<128x128xf32, #tpu.memory_space<hbm>>)
      } else {
      }
      %scan3A_71 = arith.constant 0 : i32
      %scan3A_72 = arith.constant 0 : i32
      %scan3A_73 = arith.constant 32 : i32
      %scan3A_74 = arith.addi %scan3A_72, %scan3A_73 : i32
      %scan3A_75 = arith.constant 1 : i32
      scf.for %scan3A_125 = %scan3A_72 to %scan3A_74 step %scan3A_75  : i32 {
        %broadcast_in_dim3A = vector.broadcast %scan3A_125 : i32 to vector<16xi32>
        %add3A_126 = arith.addi %add3A_11, %broadcast_in_dim3A : vector<16xi32>
        %add3A_127 = arith.constant 0 : i32
        %add3A_128 = vector.broadcast %add3A_127 : i32 to vector<16xi32>
        %add3A_129 = arith.addi %add3A_126, %add3A_128 : vector<16xi32>
        %get3A = arith.index_cast %scan3A_125 : i32 to index
        %get3A_130 = arith.constant 0 : index
        %get3A_131 = tpu.vector_load %arg5[%get3A, %get3A_130] {strides = array<i32>} : memref<32x512xf32, #tpu.memory_space<vmem>>, vector<16xf32>,
        tpu.vector_store_idx %arg9[%add3A_129], %get3A_131 : memref<16896xf32, #tpu.memory_space<vmem>>[vector<16xi32>], vector<16xf32>,
        %add3A_132 = arith.constant 528 : i32
        %add3A_133 = vector.broadcast %add3A_132 : i32 to vector<16xi32>
        %add3A_134 = arith.addi %add3A_126, %add3A_133 : vector<16xi32>
        %get3A_135 = arith.index_cast %scan3A_125 : i32 to index
        %get3A_136 = arith.constant 16 : index
        %get3A_137 = tpu.vector_load %arg5[%get3A_135, %get3A_136] {strides = array<i32>} : memref<32x512xf32, #tpu.memory_space<vmem>>, vector<16xf32>,
        tpu.vector_store_idx %arg9[%add3A_134], %get3A_137 : memref<16896xf32, #tpu.memory_space<vmem>>[vector<16xi32>], vector<16xf32>,
        %add3A_138 = arith.constant 1056 : i32
        %add3A_139 = vector.broadcast %add3A_138 : i32 to vector<16xi32>
        %add3A_140 = arith.addi %add3A_126, %add3A_139 : vector<16xi32>
        %get3A_141 = arith.index_cast %scan3A_125 : i32 to index
        %get3A_142 = arith.constant 32 : index
        %get3A_143 = tpu.vector_load %arg5[%get3A_141, %get3A_142] {strides = array<i32>} : memref<32x512xf32, #tpu.memory_space<vmem>>, vector<16xf32>,
        tpu.vector_store_idx %arg9[%add3A_140], %get3A_143 : memref<16896xf32, #tpu.memory_space<vmem>>[vector<16xi32>], vector<16xf32>,
        %add3A_144 = arith.constant 1584 : i32
        %add3A_145 = vector.broadcast %add3A_144 : i32 to vector<16xi32>
        %add3A_146 = arith.addi %add3A_126, %add3A_145 : vector<16xi32>
        %get3A_147 = arith.index_cast %scan3A_125 : i32 to index
        %get3A_148 = arith.constant 48 : index
        %get3A_149 = tpu.vector_load %arg5[%get3A_147, %get3A_148] {strides = array<i32>} : memref<32x512xf32, #tpu.memory_space<vmem>>, vector<16xf32>,
        tpu.vector_store_idx %arg9[%add3A_146], %get3A_149 : memref<16896xf32, #tpu.memory_space<vmem>>[vector<16xi32>], vector<16xf32>,
        %add3A_150 = arith.constant 2112 : i32
        %add3A_151 = vector.broadcast %add3A_150 : i32 to vector<16xi32>
        %add3A_152 = arith.addi %add3A_126, %add3A_151 : vector<16xi32>
        %get3A_153 = arith.index_cast %scan3A_125 : i32 to index
        %get3A_154 = arith.constant 64 : index
        %get3A_155 = tpu.vector_load %arg5[%get3A_153, %get3A_154] {strides = array<i32>} : memref<32x512xf32, #tpu.memory_space<vmem>>, vector<16xf32>,
        tpu.vector_store_idx %arg9[%add3A_152], %get3A_155 : memref<16896xf32, #tpu.memory_space<vmem>>[vector<16xi32>], vector<16xf32>,
        %add3A_156 = arith.constant 2640 : i32
        %add3A_157 = vector.broadcast %add3A_156 : i32 to vector<16xi32>
        %add3A_158 = arith.addi %add3A_126, %add3A_157 : vector<16xi32>
        %get3A_159 = arith.index_cast %scan3A_125 : i32 to index
        %get3A_160 = arith.constant 80 : index
        %get3A_161 = tpu.vector_load %arg5[%get3A_159, %get3A_160] {strides = array<i32>} : memref<32x512xf32, #tpu.memory_space<vmem>>, vector<16xf32>,
        tpu.vector_store_idx %arg9[%add3A_158], %get3A_161 : memref<16896xf32, #tpu.memory_space<vmem>>[vector<16xi32>], vector<16xf32>,
        %add3A_162 = arith.constant 3168 : i32
        %add3A_163 = vector.broadcast %add3A_162 : i32 to vector<16xi32>
        %add3A_164 = arith.addi %add3A_126, %add3A_163 : vector<16xi32>
        %get3A_165 = arith.index_cast %scan3A_125 : i32 to index
        %get3A_166 = arith.constant 96 : index
        %get3A_167 = tpu.vector_load %arg5[%get3A_165, %get3A_166] {strides = array<i32>} : memref<32x512xf32, #tpu.memory_space<vmem>>, vector<16xf32>,
        tpu.vector_store_idx %arg9[%add3A_164], %get3A_167 : memref<16896xf32, #tpu.memory_space<vmem>>[vector<16xi32>], vector<16xf32>,
        %add3A_168 = arith.constant 3696 : i32
        %add3A_169 = vector.broadcast %add3A_168 : i32 to vector<16xi32>
        %add3A_170 = arith.addi %add3A_126, %add3A_169 : vector<16xi32>
        %get3A_171 = arith.index_cast %scan3A_125 : i32 to index
        %get3A_172 = arith.constant 112 : index
        %get3A_173 = tpu.vector_load %arg5[%get3A_171, %get3A_172] {strides = array<i32>} : memref<32x512xf32, #tpu.memory_space<vmem>>, vector<16xf32>,
        tpu.vector_store_idx %arg9[%add3A_170], %get3A_173 : memref<16896xf32, #tpu.memory_space<vmem>>[vector<16xi32>], vector<16xf32>,
        %add3A_174 = arith.constant 4224 : i32
        %add3A_175 = vector.broadcast %add3A_174 : i32 to vector<16xi32>
        %add3A_176 = arith.addi %add3A_126, %add3A_175 : vector<16xi32>
        %get3A_177 = arith.index_cast %scan3A_125 : i32 to index
        %get3A_178 = arith.constant 128 : index
        %get3A_179 = tpu.vector_load %arg5[%get3A_177, %get3A_178] {strides = array<i32>} : memref<32x512xf32, #tpu.memory_space<vmem>>, vector<16xf32>,
        tpu.vector_store_idx %arg9[%add3A_176], %get3A_179 : memref<16896xf32, #tpu.memory_space<vmem>>[vector<16xi32>], vector<16xf32>,
        %add3A_180 = arith.constant 4752 : i32
        %add3A_181 = vector.broadcast %add3A_180 : i32 to vector<16xi32>
        %add3A_182 = arith.addi %add3A_126, %add3A_181 : vector<16xi32>
        %get3A_183 = arith.index_cast %scan3A_125 : i32 to index
        %get3A_184 = arith.constant 144 : index
        %get3A_185 = tpu.vector_load %arg5[%get3A_183, %get3A_184] {strides = array<i32>} : memref<32x512xf32, #tpu.memory_space<vmem>>, vector<16xf32>,
        tpu.vector_store_idx %arg9[%add3A_182], %get3A_185 : memref<16896xf32, #tpu.memory_space<vmem>>[vector<16xi32>], vector<16xf32>,
        %add3A_186 = arith.constant 5280 : i32
        %add3A_187 = vector.broadcast %add3A_186 : i32 to vector<16xi32>
        %add3A_188 = arith.addi %add3A_126, %add3A_187 : vector<16xi32>
        %get3A_189 = arith.index_cast %scan3A_125 : i32 to index
        %get3A_190 = arith.constant 160 : index
        %get3A_191 = tpu.vector_load %arg5[%get3A_189, %get3A_190] {strides = array<i32>} : memref<32x512xf32, #tpu.memory_space<vmem>>, vector<16xf32>,
        tpu.vector_store_idx %arg9[%add3A_188], %get3A_191 : memref<16896xf32, #tpu.memory_space<vmem>>[vector<16xi32>], vector<16xf32>,
        %add3A_192 = arith.constant 5808 : i32
        %add3A_193 = vector.broadcast %add3A_192 : i32 to vector<16xi32>
        %add3A_194 = arith.addi %add3A_126, %add3A_193 : vector<16xi32>
        %get3A_195 = arith.index_cast %scan3A_125 : i32 to index
        %get3A_196 = arith.constant 176 : index
        %get3A_197 = tpu.vector_load %arg5[%get3A_195, %get3A_196] {strides = array<i32>} : memref<32x512xf32, #tpu.memory_space<vmem>>, vector<16xf32>,
        tpu.vector_store_idx %arg9[%add3A_194], %get3A_197 : memref<16896xf32, #tpu.memory_space<vmem>>[vector<16xi32>], vector<16xf32>,
        %add3A_198 = arith.constant 6336 : i32
        %add3A_199 = vector.broadcast %add3A_198 : i32 to vector<16xi32>
        %add3A_200 = arith.addi %add3A_126, %add3A_199 : vector<16xi32>
        %get3A_201 = arith.index_cast %scan3A_125 : i32 to index
        %get3A_202 = arith.constant 192 : index
        %get3A_203 = tpu.vector_load %arg5[%get3A_201, %get3A_202] {strides = array<i32>} : memref<32x512xf32, #tpu.memory_space<vmem>>, vector<16xf32>,
        tpu.vector_store_idx %arg9[%add3A_200], %get3A_203 : memref<16896xf32, #tpu.memory_space<vmem>>[vector<16xi32>], vector<16xf32>,
        %add3A_204 = arith.constant 6864 : i32
        %add3A_205 = vector.broadcast %add3A_204 : i32 to vector<16xi32>
        %add3A_206 = arith.addi %add3A_126, %add3A_205 : vector<16xi32>
        %get3A_207 = arith.index_cast %scan3A_125 : i32 to index
        %get3A_208 = arith.constant 208 : index
        %get3A_209 = tpu.vector_load %arg5[%get3A_207, %get3A_208] {strides = array<i32>} : memref<32x512xf32, #tpu.memory_space<vmem>>, vector<16xf32>,
        tpu.vector_store_idx %arg9[%add3A_206], %get3A_209 : memref<16896xf32, #tpu.memory_space<vmem>>[vector<16xi32>], vector<16xf32>,
        %add3A_210 = arith.constant 7392 : i32
        %add3A_211 = vector.broadcast %add3A_210 : i32 to vector<16xi32>
        %add3A_212 = arith.addi %add3A_126, %add3A_211 : vector<16xi32>
        %get3A_213 = arith.index_cast %scan3A_125 : i32 to index
        %get3A_214 = arith.constant 224 : index
        %get3A_215 = tpu.vector_load %arg5[%get3A_213, %get3A_214] {strides = array<i32>} : memref<32x512xf32, #tpu.memory_space<vmem>>, vector<16xf32>,
        tpu.vector_store_idx %arg9[%add3A_212], %get3A_215 : memref<16896xf32, #tpu.memory_space<vmem>>[vector<16xi32>], vector<16xf32>,
        %add3A_216 = arith.constant 7920 : i32
        %add3A_217 = vector.broadcast %add3A_216 : i32 to vector<16xi32>
        %add3A_218 = arith.addi %add3A_126, %add3A_217 : vector<16xi32>
        %get3A_219 = arith.index_cast %scan3A_125 : i32 to index
        %get3A_220 = arith.constant 240 : index
        %get3A_221 = tpu.vector_load %arg5[%get3A_219, %get3A_220] {strides = array<i32>} : memref<32x512xf32, #tpu.memory_space<vmem>>, vector<16xf32>,
        tpu.vector_store_idx %arg9[%add3A_218], %get3A_221 : memref<16896xf32, #tpu.memory_space<vmem>>[vector<16xi32>], vector<16xf32>,
        %add3A_222 = arith.constant 8448 : i32
        %add3A_223 = vector.broadcast %add3A_222 : i32 to vector<16xi32>
        %add3A_224 = arith.addi %add3A_126, %add3A_223 : vector<16xi32>
        %get3A_225 = arith.index_cast %scan3A_125 : i32 to index
        %get3A_226 = arith.constant 256 : index
        %get3A_227 = tpu.vector_load %arg5[%get3A_225, %get3A_226] {strides = array<i32>} : memref<32x512xf32, #tpu.memory_space<vmem>>, vector<16xf32>,
        tpu.vector_store_idx %arg9[%add3A_224], %get3A_227 : memref<16896xf32, #tpu.memory_space<vmem>>[vector<16xi32>], vector<16xf32>,
        %add3A_228 = arith.constant 8976 : i32
        %add3A_229 = vector.broadcast %add3A_228 : i32 to vector<16xi32>
        %add3A_230 = arith.addi %add3A_126, %add3A_229 : vector<16xi32>
        %get3A_231 = arith.index_cast %scan3A_125 : i32 to index
        %get3A_232 = arith.constant 272 : index
        %get3A_233 = tpu.vector_load %arg5[%get3A_231, %get3A_232] {strides = array<i32>} : memref<32x512xf32, #tpu.memory_space<vmem>>, vector<16xf32>,
        tpu.vector_store_idx %arg9[%add3A_230], %get3A_233 : memref<16896xf32, #tpu.memory_space<vmem>>[vector<16xi32>], vector<16xf32>,
        %add3A_234 = arith.constant 9504 : i32
        %add3A_235 = vector.broadcast %add3A_234 : i32 to vector<16xi32>
        %add3A_236 = arith.addi %add3A_126, %add3A_235 : vector<16xi32>
        %get3A_237 = arith.index_cast %scan3A_125 : i32 to index
        %get3A_238 = arith.constant 288 : index
        %get3A_239 = tpu.vector_load %arg5[%get3A_237, %get3A_238] {strides = array<i32>} : memref<32x512xf32, #tpu.memory_space<vmem>>, vector<16xf32>,
        tpu.vector_store_idx %arg9[%add3A_236], %get3A_239 : memref<16896xf32, #tpu.memory_space<vmem>>[vector<16xi32>], vector<16xf32>,
        %add3A_240 = arith.constant 10032 : i32
        %add3A_241 = vector.broadcast %add3A_240 : i32 to vector<16xi32>
        %add3A_242 = arith.addi %add3A_126, %add3A_241 : vector<16xi32>
        %get3A_243 = arith.index_cast %scan3A_125 : i32 to index
        %get3A_244 = arith.constant 304 : index
        %get3A_245 = tpu.vector_load %arg5[%get3A_243, %get3A_244] {strides = array<i32>} : memref<32x512xf32, #tpu.memory_space<vmem>>, vector<16xf32>,
        tpu.vector_store_idx %arg9[%add3A_242], %get3A_245 : memref<16896xf32, #tpu.memory_space<vmem>>[vector<16xi32>], vector<16xf32>,
        %add3A_246 = arith.constant 10560 : i32
        %add3A_247 = vector.broadcast %add3A_246 : i32 to vector<16xi32>
        %add3A_248 = arith.addi %add3A_126, %add3A_247 : vector<16xi32>
        %get3A_249 = arith.index_cast %scan3A_125 : i32 to index
        %get3A_250 = arith.constant 320 : index
        %get3A_251 = tpu.vector_load %arg5[%get3A_249, %get3A_250] {strides = array<i32>} : memref<32x512xf32, #tpu.memory_space<vmem>>, vector<16xf32>,
        tpu.vector_store_idx %arg9[%add3A_248], %get3A_251 : memref<16896xf32, #tpu.memory_space<vmem>>[vector<16xi32>], vector<16xf32>,
        %add3A_252 = arith.constant 11088 : i32
        %add3A_253 = vector.broadcast %add3A_252 : i32 to vector<16xi32>
        %add3A_254 = arith.addi %add3A_126, %add3A_253 : vector<16xi32>
        %get3A_255 = arith.index_cast %scan3A_125 : i32 to index
        %get3A_256 = arith.constant 336 : index
        %get3A_257 = tpu.vector_load %arg5[%get3A_255, %get3A_256] {strides = array<i32>} : memref<32x512xf32, #tpu.memory_space<vmem>>, vector<16xf32>,
        tpu.vector_store_idx %arg9[%add3A_254], %get3A_257 : memref<16896xf32, #tpu.memory_space<vmem>>[vector<16xi32>], vector<16xf32>,
        %add3A_258 = arith.constant 11616 : i32
        %add3A_259 = vector.broadcast %add3A_258 : i32 to vector<16xi32>
        %add3A_260 = arith.addi %add3A_126, %add3A_259 : vector<16xi32>
        %get3A_261 = arith.index_cast %scan3A_125 : i32 to index
        %get3A_262 = arith.constant 352 : index
        %get3A_263 = tpu.vector_load %arg5[%get3A_261, %get3A_262] {strides = array<i32>} : memref<32x512xf32, #tpu.memory_space<vmem>>, vector<16xf32>,
        tpu.vector_store_idx %arg9[%add3A_260], %get3A_263 : memref<16896xf32, #tpu.memory_space<vmem>>[vector<16xi32>], vector<16xf32>,
        %add3A_264 = arith.constant 12144 : i32
        %add3A_265 = vector.broadcast %add3A_264 : i32 to vector<16xi32>
        %add3A_266 = arith.addi %add3A_126, %add3A_265 : vector<16xi32>
        %get3A_267 = arith.index_cast %scan3A_125 : i32 to index
        %get3A_268 = arith.constant 368 : index
        %get3A_269 = tpu.vector_load %arg5[%get3A_267, %get3A_268] {strides = array<i32>} : memref<32x512xf32, #tpu.memory_space<vmem>>, vector<16xf32>,
        tpu.vector_store_idx %arg9[%add3A_266], %get3A_269 : memref<16896xf32, #tpu.memory_space<vmem>>[vector<16xi32>], vector<16xf32>,
        %add3A_270 = arith.constant 12672 : i32
        %add3A_271 = vector.broadcast %add3A_270 : i32 to vector<16xi32>
        %add3A_272 = arith.addi %add3A_126, %add3A_271 : vector<16xi32>
        %get3A_273 = arith.index_cast %scan3A_125 : i32 to index
        %get3A_274 = arith.constant 384 : index
        %get3A_275 = tpu.vector_load %arg5[%get3A_273, %get3A_274] {strides = array<i32>} : memref<32x512xf32, #tpu.memory_space<vmem>>, vector<16xf32>,
        tpu.vector_store_idx %arg9[%add3A_272], %get3A_275 : memref<16896xf32, #tpu.memory_space<vmem>>[vector<16xi32>], vector<16xf32>,
        %add3A_276 = arith.constant 13200 : i32
        %add3A_277 = vector.broadcast %add3A_276 : i32 to vector<16xi32>
        %add3A_278 = arith.addi %add3A_126, %add3A_277 : vector<16xi32>
        %get3A_279 = arith.index_cast %scan3A_125 : i32 to index
        %get3A_280 = arith.constant 400 : index
        %get3A_281 = tpu.vector_load %arg5[%get3A_279, %get3A_280] {strides = array<i32>} : memref<32x512xf32, #tpu.memory_space<vmem>>, vector<16xf32>,
        tpu.vector_store_idx %arg9[%add3A_278], %get3A_281 : memref<16896xf32, #tpu.memory_space<vmem>>[vector<16xi32>], vector<16xf32>,
        %add3A_282 = arith.constant 13728 : i32
        %add3A_283 = vector.broadcast %add3A_282 : i32 to vector<16xi32>
        %add3A_284 = arith.addi %add3A_126, %add3A_283 : vector<16xi32>
        %get3A_285 = arith.index_cast %scan3A_125 : i32 to index
        %get3A_286 = arith.constant 416 : index
        %get3A_287 = tpu.vector_load %arg5[%get3A_285, %get3A_286] {strides = array<i32>} : memref<32x512xf32, #tpu.memory_space<vmem>>, vector<16xf32>,
        tpu.vector_store_idx %arg9[%add3A_284], %get3A_287 : memref<16896xf32, #tpu.memory_space<vmem>>[vector<16xi32>], vector<16xf32>,
        %add3A_288 = arith.constant 14256 : i32
        %add3A_289 = vector.broadcast %add3A_288 : i32 to vector<16xi32>
        %add3A_290 = arith.addi %add3A_126, %add3A_289 : vector<16xi32>
        %get3A_291 = arith.index_cast %scan3A_125 : i32 to index
        %get3A_292 = arith.constant 432 : index
        %get3A_293 = tpu.vector_load %arg5[%get3A_291, %get3A_292] {strides = array<i32>} : memref<32x512xf32, #tpu.memory_space<vmem>>, vector<16xf32>,
        tpu.vector_store_idx %arg9[%add3A_290], %get3A_293 : memref<16896xf32, #tpu.memory_space<vmem>>[vector<16xi32>], vector<16xf32>,
        %add3A_294 = arith.constant 14784 : i32
        %add3A_295 = vector.broadcast %add3A_294 : i32 to vector<16xi32>
        %add3A_296 = arith.addi %add3A_126, %add3A_295 : vector<16xi32>
        %get3A_297 = arith.index_cast %scan3A_125 : i32 to index
        %get3A_298 = arith.constant 448 : index
        %get3A_299 = tpu.vector_load %arg5[%get3A_297, %get3A_298] {strides = array<i32>} : memref<32x512xf32, #tpu.memory_space<vmem>>, vector<16xf32>,
        tpu.vector_store_idx %arg9[%add3A_296], %get3A_299 : memref<16896xf32, #tpu.memory_space<vmem>>[vector<16xi32>], vector<16xf32>,
        %add3A_300 = arith.constant 15312 : i32
        %add3A_301 = vector.broadcast %add3A_300 : i32 to vector<16xi32>
        %add3A_302 = arith.addi %add3A_126, %add3A_301 : vector<16xi32>
        %get3A_303 = arith.index_cast %scan3A_125 : i32 to index
        %get3A_304 = arith.constant 464 : index
        %get3A_305 = tpu.vector_load %arg5[%get3A_303, %get3A_304] {strides = array<i32>} : memref<32x512xf32, #tpu.memory_space<vmem>>, vector<16xf32>,
        tpu.vector_store_idx %arg9[%add3A_302], %get3A_305 : memref<16896xf32, #tpu.memory_space<vmem>>[vector<16xi32>], vector<16xf32>,
        %add3A_306 = arith.constant 15840 : i32
        %add3A_307 = vector.broadcast %add3A_306 : i32 to vector<16xi32>
        %add3A_308 = arith.addi %add3A_126, %add3A_307 : vector<16xi32>
        %get3A_309 = arith.index_cast %scan3A_125 : i32 to index
        %get3A_310 = arith.constant 480 : index
        %get3A_311 = tpu.vector_load %arg5[%get3A_309, %get3A_310] {strides = array<i32>} : memref<32x512xf32, #tpu.memory_space<vmem>>, vector<16xf32>,
        tpu.vector_store_idx %arg9[%add3A_308], %get3A_311 : memref<16896xf32, #tpu.memory_space<vmem>>[vector<16xi32>], vector<16xf32>,
        %add3A_312 = arith.constant 16368 : i32
        %add3A_313 = vector.broadcast %add3A_312 : i32 to vector<16xi32>
        %add3A_314 = arith.addi %add3A_126, %add3A_313 : vector<16xi32>
        %get3A_315 = arith.index_cast %scan3A_125 : i32 to index
        %get3A_316 = arith.constant 496 : index
        %get3A_317 = tpu.vector_load %arg5[%get3A_315, %get3A_316] {strides = array<i32>} : memref<32x512xf32, #tpu.memory_space<vmem>>, vector<16xf32>,
        tpu.vector_store_idx %arg9[%add3A_314], %get3A_317 : memref<16896xf32, #tpu.memory_space<vmem>>[vector<16xi32>], vector<16xf32>,
      }
      %scan3A_76 = arith.constant 32 : i32
      %add3A_77 = arith.constant 0 : i32
      %add3A_78 = vector.broadcast %add3A_77 : i32 to vector<16xi32>
      %add3A_79 = arith.addi %iota3A, %add3A_78 : vector<16xi32>
      %add3A_80 = arith.constant 16 : i32
      %add3A_81 = vector.broadcast %add3A_80 : i32 to vector<16xi32>
      %add3A_82 = arith.addi %iota3A, %add3A_81 : vector<16xi32>
      %add3A_83 = arith.constant 33 : i32
      %add3A_84 = vector.broadcast %add3A_83 : i32 to vector<16xi32>
      %add3A_85 = arith.addi %iota3A, %add3A_84 : vector<16xi32>
      %add3A_86 = arith.constant 49 : i32
      %add3A_87 = vector.broadcast %add3A_86 : i32 to vector<16xi32>
      %add3A_88 = arith.addi %iota3A, %add3A_87 : vector<16xi32>
      %add3A_89 = arith.constant 66 : i32
      %add3A_90 = vector.broadcast %add3A_89 : i32 to vector<16xi32>
      %add3A_91 = arith.addi %iota3A, %add3A_90 : vector<16xi32>
      %add3A_92 = arith.constant 82 : i32
      %add3A_93 = vector.broadcast %add3A_92 : i32 to vector<16xi32>
      %add3A_94 = arith.addi %iota3A, %add3A_93 : vector<16xi32>
      %add3A_95 = arith.constant 99 : i32
      %add3A_96 = vector.broadcast %add3A_95 : i32 to vector<16xi32>
      %add3A_97 = arith.addi %iota3A, %add3A_96 : vector<16xi32>
      %add3A_98 = arith.constant 115 : i32
      %add3A_99 = vector.broadcast %add3A_98 : i32 to vector<16xi32>
      %add3A_100 = arith.addi %iota3A, %add3A_99 : vector<16xi32>
      %scan3A_101 = arith.constant 0 : i32
      %scan3A_102 = arith.constant 0 : i32
      %scan3A_103 = arith.constant 128 : i32
      %scan3A_104 = arith.addi %scan3A_102, %scan3A_103 : i32
      %scan3A_105 = arith.constant 1 : i32
      scf.for %scan3A_125 = %scan3A_102 to %scan3A_104 step %scan3A_105  : i32 {
        %mul3A_126 = arith.constant 132 : i32
        %mul3A_127 = arith.muli %scan3A_125, %mul3A_126 : i32
        %broadcast_in_dim3A = vector.broadcast %mul3A_127 : i32 to vector<16xi32>
        %add3A_128 = arith.addi %broadcast_in_dim3A, %add3A_79 : vector<16xi32>
        %gather3A = tpu.vector_load_idx %arg9[%add3A_128] : memref<16896xf32, #tpu.memory_space<vmem>>[vector<16xi32>], vector<16xf32>,
        %swap3A = arith.index_cast %scan3A_125 : i32 to index
        %swap3A_129 = arith.constant 0 : index
        %swap3A_130 = tpu.vector_load %arg7[%swap3A, %swap3A_129] {strides = array<i32>} : memref<128x128xf32, #tpu.memory_space<vmem>>, vector<16xf32>,
        tpu.vector_store %arg7[%swap3A, %swap3A_129], %gather3A {strides = array<i32>} : memref<128x128xf32, #tpu.memory_space<vmem>>, vector<16xf32>,
        %add3A_131 = arith.addi %broadcast_in_dim3A, %add3A_82 : vector<16xi32>
        %gather3A_132 = tpu.vector_load_idx %arg9[%add3A_131] : memref<16896xf32, #tpu.memory_space<vmem>>[vector<16xi32>], vector<16xf32>,
        %swap3A_133 = arith.index_cast %scan3A_125 : i32 to index
        %swap3A_134 = arith.constant 16 : index
        %swap3A_135 = tpu.vector_load %arg7[%swap3A_133, %swap3A_134] {strides = array<i32>} : memref<128x128xf32, #tpu.memory_space<vmem>>, vector<16xf32>,
        tpu.vector_store %arg7[%swap3A_133, %swap3A_134], %gather3A_132 {strides = array<i32>} : memref<128x128xf32, #tpu.memory_space<vmem>>, vector<16xf32>,
        %add3A_136 = arith.addi %broadcast_in_dim3A, %add3A_85 : vector<16xi32>
        %gather3A_137 = tpu.vector_load_idx %arg9[%add3A_136] : memref<16896xf32, #tpu.memory_space<vmem>>[vector<16xi32>], vector<16xf32>,
        %swap3A_138 = arith.index_cast %scan3A_125 : i32 to index
        %swap3A_139 = arith.constant 32 : index
        %swap3A_140 = tpu.vector_load %arg7[%swap3A_138, %swap3A_139] {strides = array<i32>} : memref<128x128xf32, #tpu.memory_space<vmem>>, vector<16xf32>,
        tpu.vector_store %arg7[%swap3A_138, %swap3A_139], %gather3A_137 {strides = array<i32>} : memref<128x128xf32, #tpu.memory_space<vmem>>, vector<16xf32>,
        %add3A_141 = arith.addi %broadcast_in_dim3A, %add3A_88 : vector<16xi32>
        %gather3A_142 = tpu.vector_load_idx %arg9[%add3A_141] : memref<16896xf32, #tpu.memory_space<vmem>>[vector<16xi32>], vector<16xf32>,
        %swap3A_143 = arith.index_cast %scan3A_125 : i32 to index
        %swap3A_144 = arith.constant 48 : index
        %swap3A_145 = tpu.vector_load %arg7[%swap3A_143, %swap3A_144] {strides = array<i32>} : memref<128x128xf32, #tpu.memory_space<vmem>>, vector<16xf32>,
        tpu.vector_store %arg7[%swap3A_143, %swap3A_144], %gather3A_142 {strides = array<i32>} : memref<128x128xf32, #tpu.memory_space<vmem>>, vector<16xf32>,
        %add3A_146 = arith.addi %broadcast_in_dim3A, %add3A_91 : vector<16xi32>
        %gather3A_147 = tpu.vector_load_idx %arg9[%add3A_146] : memref<16896xf32, #tpu.memory_space<vmem>>[vector<16xi32>], vector<16xf32>,
        %swap3A_148 = arith.index_cast %scan3A_125 : i32 to index
        %swap3A_149 = arith.constant 64 : index
        %swap3A_150 = tpu.vector_load %arg7[%swap3A_148, %swap3A_149] {strides = array<i32>} : memref<128x128xf32, #tpu.memory_space<vmem>>, vector<16xf32>,
        tpu.vector_store %arg7[%swap3A_148, %swap3A_149], %gather3A_147 {strides = array<i32>} : memref<128x128xf32, #tpu.memory_space<vmem>>, vector<16xf32>,
        %add3A_151 = arith.addi %broadcast_in_dim3A, %add3A_94 : vector<16xi32>
        %gather3A_152 = tpu.vector_load_idx %arg9[%add3A_151] : memref<16896xf32, #tpu.memory_space<vmem>>[vector<16xi32>], vector<16xf32>,
        %swap3A_153 = arith.index_cast %scan3A_125 : i32 to index
        %swap3A_154 = arith.constant 80 : index
        %swap3A_155 = tpu.vector_load %arg7[%swap3A_153, %swap3A_154] {strides = array<i32>} : memref<128x128xf32, #tpu.memory_space<vmem>>, vector<16xf32>,
        tpu.vector_store %arg7[%swap3A_153, %swap3A_154], %gather3A_152 {strides = array<i32>} : memref<128x128xf32, #tpu.memory_space<vmem>>, vector<16xf32>,
        %add3A_156 = arith.addi %broadcast_in_dim3A, %add3A_97 : vector<16xi32>
        %gather3A_157 = tpu.vector_load_idx %arg9[%add3A_156] : memref<16896xf32, #tpu.memory_space<vmem>>[vector<16xi32>], vector<16xf32>,
        %swap3A_158 = arith.index_cast %scan3A_125 : i32 to index
        %swap3A_159 = arith.constant 96 : index
        %swap3A_160 = tpu.vector_load %arg7[%swap3A_158, %swap3A_159] {strides = array<i32>} : memref<128x128xf32, #tpu.memory_space<vmem>>, vector<16xf32>,
        tpu.vector_store %arg7[%swap3A_158, %swap3A_159], %gather3A_157 {strides = array<i32>} : memref<128x128xf32, #tpu.memory_space<vmem>>, vector<16xf32>,
        %add3A_161 = arith.addi %broadcast_in_dim3A, %add3A_100 : vector<16xi32>
        %gather3A_162 = tpu.vector_load_idx %arg9[%add3A_161] : memref<16896xf32, #tpu.memory_space<vmem>>[vector<16xi32>], vector<16xf32>,
        %swap3A_163 = arith.index_cast %scan3A_125 : i32 to index
        %swap3A_164 = arith.constant 112 : index
        %swap3A_165 = tpu.vector_load %arg7[%swap3A_163, %swap3A_164] {strides = array<i32>} : memref<128x128xf32, #tpu.memory_space<vmem>>, vector<16xf32>,
        tpu.vector_store %arg7[%swap3A_163, %swap3A_164], %gather3A_162 {strides = array<i32>} : memref<128x128xf32, #tpu.memory_space<vmem>>, vector<16xf32>,
      }
      %scan3A_106 = arith.constant 128 : i32
      %mul3A_107 = arith.constant 128 : i32
      %mul3A_108 = arith.muli %add3A_59, %mul3A_107 : i32
      %multiple_of3A_109 = tpu.assume_multiple %mul3A_108, 128 : i32
      %dma_start3A_110 = arith.constant 0 : i32
      %dma_start3A_111 = tpu.memref_slice %arg4[%multiple_of3A_109, %dma_start3A_110] : memref<250000x128xf32, #tpu.memory_space<hbm>> -> memref<128x128xf32, #tpu.memory_space<hbm>>
      %dma_start3A_112 = arith.constant 0 : i32
      %dma_start3A_113 = tpu.memref_slice %arg4[%multiple_of3A_109, %dma_start3A_112] : memref<250000x128xf32, #tpu.memory_space<hbm>> -> memref<128x128xf32, #tpu.memory_space<hbm>>
      tpu.enqueue_dma source(%arg7 : memref<128x128xf32, #tpu.memory_space<vmem>>) target(%dma_start3A_113 : memref<128x128xf32, #tpu.memory_space<hbm>>) target_semaphore(%arg12 : memref<!tpu.dma_semaphore, #tpu.memory_space<semaphore_mem>>)
      %lt3A = arith.constant 30 : i32
      %lt3A_114 = arith.cmpi slt, %scan3A_54, %lt3A : i32
      %convert_element_type3A_115 = arith.extui %lt3A_114 : i1 to i32
      %cond3A_116 = arith.constant 0 : i32
      %cond3A_117 = arith.cmpi ne, %convert_element_type3A_115, %cond3A_116 : i32
      scf.if %cond3A_117 {
        %add3A_125 = arith.constant 64 : i32
        %add3A_126 = arith.addi %add3A_59, %add3A_125 : i32
        %mul3A_127 = arith.constant 512 : i32
        %mul3A_128 = arith.muli %add3A_126, %mul3A_127 : i32
        %multiple_of3A_129 = tpu.assume_multiple %mul3A_128, 512 : i32
        %dma_start3A_130 = arith.constant 0 : i32
        %dma_start3A_131 = tpu.memref_slice %arg2[%dma_start3A_130, %multiple_of3A_129] : memref<32x1000000xf32, #tpu.memory_space<hbm>> -> memref<32x512xf32, #tpu.memory_space<hbm>>
        %dma_start3A_132 = arith.constant 0 : i32
        %dma_start3A_133 = tpu.memref_slice %arg2[%dma_start3A_132, %multiple_of3A_129] : memref<32x1000000xf32, #tpu.memory_space<hbm>> -> memref<32x512xf32, #tpu.memory_space<hbm>>
        tpu.enqueue_dma source(%dma_start3A_133 : memref<32x512xf32, #tpu.memory_space<hbm>>) target(%arg5 : memref<32x512xf32, #tpu.memory_space<vmem>>) target_semaphore(%arg10 : memref<!tpu.dma_semaphore, #tpu.memory_space<semaphore_mem>>)
      } else {
      }
      %add3A_118 = arith.constant 32 : i32
      %add3A_119 = arith.addi %add3A_59, %add3A_118 : i32
      %lt3A_120 = arith.constant 1953 : i32
      %lt3A_121 = arith.cmpi slt, %add3A_119, %lt3A_120 : i32
      %convert_element_type3A_122 = arith.extui %lt3A_121 : i1 to i32
      %cond3A_123 = arith.constant 0 : i32
      %cond3A_124 = arith.cmpi ne, %convert_element_type3A_122, %cond3A_123 : i32
      scf.if %cond3A_124 {
        %mul3A_125 = arith.constant 512 : i32
        %mul3A_126 = arith.muli %add3A_119, %mul3A_125 : i32
        %multiple_of3A_127 = tpu.assume_multiple %mul3A_126, 512 : i32
        %dma_wait3A_128 = arith.constant 0 : i32
        %dma_wait3A_129 = tpu.memref_slice %arg2[%dma_wait3A_128, %multiple_of3A_127] : memref<32x1000000xf32, #tpu.memory_space<hbm>> -> memref<32x512xf32, #tpu.memory_space<hbm>>
        %dma_wait3A_130 = arith.constant 0 : i32
        %dma_wait3A_131 = tpu.memref_slice %arg2[%dma_wait3A_130, %multiple_of3A_127] : memref<32x1000000xf32, #tpu.memory_space<hbm>> -> memref<32x512xf32, #tpu.memory_space<hbm>>
        tpu.wait_dma2 semaphore(%arg11 : memref<!tpu.dma_semaphore, #tpu.memory_space<semaphore_mem>>) src(%dma_wait3A_131 : memref<32x512xf32, #tpu.memory_space<hbm>>) dst(%arg6 : memref<32x512xf32, #tpu.memory_space<vmem>>)
        %gt3A_132 = arith.constant 0 : i32
        %gt3A_133 = arith.cmpi sgt, %scan3A_54, %gt3A_132 : i32
        %convert_element_type3A_134 = arith.extui %gt3A_133 : i1 to i32
        %cond3A_135 = arith.constant 0 : i32
        %cond3A_136 = arith.cmpi ne, %convert_element_type3A_134, %cond3A_135 : i32
        scf.if %cond3A_136 {
          %sub3A = arith.constant 64 : i32
          %sub3A_187 = arith.subi %add3A_119, %sub3A : i32
          %mul3A_188 = arith.constant 128 : i32
          %mul3A_189 = arith.muli %sub3A_187, %mul3A_188 : i32
          %multiple_of3A_190 = tpu.assume_multiple %mul3A_189, 128 : i32
          %dma_wait3A_191 = arith.constant 0 : i32
          %dma_wait3A_192 = tpu.memref_slice %arg4[%multiple_of3A_190, %dma_wait3A_191] : memref<250000x128xf32, #tpu.memory_space<hbm>> -> memref<128x128xf32, #tpu.memory_space<hbm>>
          %dma_wait3A_193 = arith.constant 0 : i32
          %dma_wait3A_194 = tpu.memref_slice %arg4[%multiple_of3A_190, %dma_wait3A_193] : memref<250000x128xf32, #tpu.memory_space<hbm>> -> memref<128x128xf32, #tpu.memory_space<hbm>>
          tpu.wait_dma2 semaphore(%arg13 : memref<!tpu.dma_semaphore, #tpu.memory_space<semaphore_mem>>) src(%arg8 : memref<128x128xf32, #tpu.memory_space<vmem>>) dst(%dma_wait3A_194 : memref<128x128xf32, #tpu.memory_space<hbm>>)
        } else {
        }
        %scan3A_137 = arith.constant 0 : i32
        %scan3A_138 = arith.constant 0 : i32
        %scan3A_139 = arith.constant 32 : i32
        %scan3A_140 = arith.addi %scan3A_138, %scan3A_139 : i32
        %scan3A_141 = arith.constant 1 : i32
        scf.for %scan3A_187 = %scan3A_138 to %scan3A_140 step %scan3A_141  : i32 {
          %broadcast_in_dim3A = vector.broadcast %scan3A_187 : i32 to vector<16xi32>
          %add3A_188 = arith.addi %add3A_11, %broadcast_in_dim3A : vector<16xi32>
          %add3A_189 = arith.constant 0 : i32
          %add3A_190 = vector.broadcast %add3A_189 : i32 to vector<16xi32>
          %add3A_191 = arith.addi %add3A_188, %add3A_190 : vector<16xi32>
          %get3A = arith.index_cast %scan3A_187 : i32 to index
          %get3A_192 = arith.constant 0 : index
          %get3A_193 = tpu.vector_load %arg6[%get3A, %get3A_192] {strides = array<i32>} : memref<32x512xf32, #tpu.memory_space<vmem>>, vector<16xf32>,
          tpu.vector_store_idx %arg9[%add3A_191], %get3A_193 : memref<16896xf32, #tpu.memory_space<vmem>>[vector<16xi32>], vector<16xf32>,
          %add3A_194 = arith.constant 528 : i32
          %add3A_195 = vector.broadcast %add3A_194 : i32 to vector<16xi32>
          %add3A_196 = arith.addi %add3A_188, %add3A_195 : vector<16xi32>
          %get3A_197 = arith.index_cast %scan3A_187 : i32 to index
          %get3A_198 = arith.constant 16 : index
          %get3A_199 = tpu.vector_load %arg6[%get3A_197, %get3A_198] {strides = array<i32>} : memref<32x512xf32, #tpu.memory_space<vmem>>, vector<16xf32>,
          tpu.vector_store_idx %arg9[%add3A_196], %get3A_199 : memref<16896xf32, #tpu.memory_space<vmem>>[vector<16xi32>], vector<16xf32>,
          %add3A_200 = arith.constant 1056 : i32
          %add3A_201 = vector.broadcast %add3A_200 : i32 to vector<16xi32>
          %add3A_202 = arith.addi %add3A_188, %add3A_201 : vector<16xi32>
          %get3A_203 = arith.index_cast %scan3A_187 : i32 to index
          %get3A_204 = arith.constant 32 : index
          %get3A_205 = tpu.vector_load %arg6[%get3A_203, %get3A_204] {strides = array<i32>} : memref<32x512xf32, #tpu.memory_space<vmem>>, vector<16xf32>,
          tpu.vector_store_idx %arg9[%add3A_202], %get3A_205 : memref<16896xf32, #tpu.memory_space<vmem>>[vector<16xi32>], vector<16xf32>,
          %add3A_206 = arith.constant 1584 : i32
          %add3A_207 = vector.broadcast %add3A_206 : i32 to vector<16xi32>
          %add3A_208 = arith.addi %add3A_188, %add3A_207 : vector<16xi32>
          %get3A_209 = arith.index_cast %scan3A_187 : i32 to index
          %get3A_210 = arith.constant 48 : index
          %get3A_211 = tpu.vector_load %arg6[%get3A_209, %get3A_210] {strides = array<i32>} : memref<32x512xf32, #tpu.memory_space<vmem>>, vector<16xf32>,
          tpu.vector_store_idx %arg9[%add3A_208], %get3A_211 : memref<16896xf32, #tpu.memory_space<vmem>>[vector<16xi32>], vector<16xf32>,
          %add3A_212 = arith.constant 2112 : i32
          %add3A_213 = vector.broadcast %add3A_212 : i32 to vector<16xi32>
          %add3A_214 = arith.addi %add3A_188, %add3A_213 : vector<16xi32>
          %get3A_215 = arith.index_cast %scan3A_187 : i32 to index
          %get3A_216 = arith.constant 64 : index
          %get3A_217 = tpu.vector_load %arg6[%get3A_215, %get3A_216] {strides = array<i32>} : memref<32x512xf32, #tpu.memory_space<vmem>>, vector<16xf32>,
          tpu.vector_store_idx %arg9[%add3A_214], %get3A_217 : memref<16896xf32, #tpu.memory_space<vmem>>[vector<16xi32>], vector<16xf32>,
          %add3A_218 = arith.constant 2640 : i32
          %add3A_219 = vector.broadcast %add3A_218 : i32 to vector<16xi32>
          %add3A_220 = arith.addi %add3A_188, %add3A_219 : vector<16xi32>
          %get3A_221 = arith.index_cast %scan3A_187 : i32 to index
          %get3A_222 = arith.constant 80 : index
          %get3A_223 = tpu.vector_load %arg6[%get3A_221, %get3A_222] {strides = array<i32>} : memref<32x512xf32, #tpu.memory_space<vmem>>, vector<16xf32>,
          tpu.vector_store_idx %arg9[%add3A_220], %get3A_223 : memref<16896xf32, #tpu.memory_space<vmem>>[vector<16xi32>], vector<16xf32>,
          %add3A_224 = arith.constant 3168 : i32
          %add3A_225 = vector.broadcast %add3A_224 : i32 to vector<16xi32>
          %add3A_226 = arith.addi %add3A_188, %add3A_225 : vector<16xi32>
          %get3A_227 = arith.index_cast %scan3A_187 : i32 to index
          %get3A_228 = arith.constant 96 : index
          %get3A_229 = tpu.vector_load %arg6[%get3A_227, %get3A_228] {strides = array<i32>} : memref<32x512xf32, #tpu.memory_space<vmem>>, vector<16xf32>,
          tpu.vector_store_idx %arg9[%add3A_226], %get3A_229 : memref<16896xf32, #tpu.memory_space<vmem>>[vector<16xi32>], vector<16xf32>,
          %add3A_230 = arith.constant 3696 : i32
          %add3A_231 = vector.broadcast %add3A_230 : i32 to vector<16xi32>
          %add3A_232 = arith.addi %add3A_188, %add3A_231 : vector<16xi32>
          %get3A_233 = arith.index_cast %scan3A_187 : i32 to index
          %get3A_234 = arith.constant 112 : index
          %get3A_235 = tpu.vector_load %arg6[%get3A_233, %get3A_234] {strides = array<i32>} : memref<32x512xf32, #tpu.memory_space<vmem>>, vector<16xf32>,
          tpu.vector_store_idx %arg9[%add3A_232], %get3A_235 : memref<16896xf32, #tpu.memory_space<vmem>>[vector<16xi32>], vector<16xf32>,
          %add3A_236 = arith.constant 4224 : i32
          %add3A_237 = vector.broadcast %add3A_236 : i32 to vector<16xi32>
          %add3A_238 = arith.addi %add3A_188, %add3A_237 : vector<16xi32>
          %get3A_239 = arith.index_cast %scan3A_187 : i32 to index
          %get3A_240 = arith.constant 128 : index
          %get3A_241 = tpu.vector_load %arg6[%get3A_239, %get3A_240] {strides = array<i32>} : memref<32x512xf32, #tpu.memory_space<vmem>>, vector<16xf32>,
          tpu.vector_store_idx %arg9[%add3A_238], %get3A_241 : memref<16896xf32, #tpu.memory_space<vmem>>[vector<16xi32>], vector<16xf32>,
          %add3A_242 = arith.constant 4752 : i32
          %add3A_243 = vector.broadcast %add3A_242 : i32 to vector<16xi32>
          %add3A_244 = arith.addi %add3A_188, %add3A_243 : vector<16xi32>
          %get3A_245 = arith.index_cast %scan3A_187 : i32 to index
          %get3A_246 = arith.constant 144 : index
          %get3A_247 = tpu.vector_load %arg6[%get3A_245, %get3A_246] {strides = array<i32>} : memref<32x512xf32, #tpu.memory_space<vmem>>, vector<16xf32>,
          tpu.vector_store_idx %arg9[%add3A_244], %get3A_247 : memref<16896xf32, #tpu.memory_space<vmem>>[vector<16xi32>], vector<16xf32>,
          %add3A_248 = arith.constant 5280 : i32
          %add3A_249 = vector.broadcast %add3A_248 : i32 to vector<16xi32>
          %add3A_250 = arith.addi %add3A_188, %add3A_249 : vector<16xi32>
          %get3A_251 = arith.index_cast %scan3A_187 : i32 to index
          %get3A_252 = arith.constant 160 : index
          %get3A_253 = tpu.vector_load %arg6[%get3A_251, %get3A_252] {strides = array<i32>} : memref<32x512xf32, #tpu.memory_space<vmem>>, vector<16xf32>,
          tpu.vector_store_idx %arg9[%add3A_250], %get3A_253 : memref<16896xf32, #tpu.memory_space<vmem>>[vector<16xi32>], vector<16xf32>,
          %add3A_254 = arith.constant 5808 : i32
          %add3A_255 = vector.broadcast %add3A_254 : i32 to vector<16xi32>
          %add3A_256 = arith.addi %add3A_188, %add3A_255 : vector<16xi32>
          %get3A_257 = arith.index_cast %scan3A_187 : i32 to index
          %get3A_258 = arith.constant 176 : index
          %get3A_259 = tpu.vector_load %arg6[%get3A_257, %get3A_258] {strides = array<i32>} : memref<32x512xf32, #tpu.memory_space<vmem>>, vector<16xf32>,
          tpu.vector_store_idx %arg9[%add3A_256], %get3A_259 : memref<16896xf32, #tpu.memory_space<vmem>>[vector<16xi32>], vector<16xf32>,
          %add3A_260 = arith.constant 6336 : i32
          %add3A_261 = vector.broadcast %add3A_260 : i32 to vector<16xi32>
          %add3A_262 = arith.addi %add3A_188, %add3A_261 : vector<16xi32>
          %get3A_263 = arith.index_cast %scan3A_187 : i32 to index
          %get3A_264 = arith.constant 192 : index
          %get3A_265 = tpu.vector_load %arg6[%get3A_263, %get3A_264] {strides = array<i32>} : memref<32x512xf32, #tpu.memory_space<vmem>>, vector<16xf32>,
          tpu.vector_store_idx %arg9[%add3A_262], %get3A_265 : memref<16896xf32, #tpu.memory_space<vmem>>[vector<16xi32>], vector<16xf32>,
          %add3A_266 = arith.constant 6864 : i32
          %add3A_267 = vector.broadcast %add3A_266 : i32 to vector<16xi32>
          %add3A_268 = arith.addi %add3A_188, %add3A_267 : vector<16xi32>
          %get3A_269 = arith.index_cast %scan3A_187 : i32 to index
          %get3A_270 = arith.constant 208 : index
          %get3A_271 = tpu.vector_load %arg6[%get3A_269, %get3A_270] {strides = array<i32>} : memref<32x512xf32, #tpu.memory_space<vmem>>, vector<16xf32>,
          tpu.vector_store_idx %arg9[%add3A_268], %get3A_271 : memref<16896xf32, #tpu.memory_space<vmem>>[vector<16xi32>], vector<16xf32>,
          %add3A_272 = arith.constant 7392 : i32
          %add3A_273 = vector.broadcast %add3A_272 : i32 to vector<16xi32>
          %add3A_274 = arith.addi %add3A_188, %add3A_273 : vector<16xi32>
          %get3A_275 = arith.index_cast %scan3A_187 : i32 to index
          %get3A_276 = arith.constant 224 : index
          %get3A_277 = tpu.vector_load %arg6[%get3A_275, %get3A_276] {strides = array<i32>} : memref<32x512xf32, #tpu.memory_space<vmem>>, vector<16xf32>,
          tpu.vector_store_idx %arg9[%add3A_274], %get3A_277 : memref<16896xf32, #tpu.memory_space<vmem>>[vector<16xi32>], vector<16xf32>,
          %add3A_278 = arith.constant 7920 : i32
          %add3A_279 = vector.broadcast %add3A_278 : i32 to vector<16xi32>
          %add3A_280 = arith.addi %add3A_188, %add3A_279 : vector<16xi32>
          %get3A_281 = arith.index_cast %scan3A_187 : i32 to index
          %get3A_282 = arith.constant 240 : index
          %get3A_283 = tpu.vector_load %arg6[%get3A_281, %get3A_282] {strides = array<i32>} : memref<32x512xf32, #tpu.memory_space<vmem>>, vector<16xf32>,
          tpu.vector_store_idx %arg9[%add3A_280], %get3A_283 : memref<16896xf32, #tpu.memory_space<vmem>>[vector<16xi32>], vector<16xf32>,
          %add3A_284 = arith.constant 8448 : i32
          %add3A_285 = vector.broadcast %add3A_284 : i32 to vector<16xi32>
          %add3A_286 = arith.addi %add3A_188, %add3A_285 : vector<16xi32>
          %get3A_287 = arith.index_cast %scan3A_187 : i32 to index
          %get3A_288 = arith.constant 256 : index
          %get3A_289 = tpu.vector_load %arg6[%get3A_287, %get3A_288] {strides = array<i32>} : memref<32x512xf32, #tpu.memory_space<vmem>>, vector<16xf32>,
          tpu.vector_store_idx %arg9[%add3A_286], %get3A_289 : memref<16896xf32, #tpu.memory_space<vmem>>[vector<16xi32>], vector<16xf32>,
          %add3A_290 = arith.constant 8976 : i32
          %add3A_291 = vector.broadcast %add3A_290 : i32 to vector<16xi32>
          %add3A_292 = arith.addi %add3A_188, %add3A_291 : vector<16xi32>
          %get3A_293 = arith.index_cast %scan3A_187 : i32 to index
          %get3A_294 = arith.constant 272 : index
          %get3A_295 = tpu.vector_load %arg6[%get3A_293, %get3A_294] {strides = array<i32>} : memref<32x512xf32, #tpu.memory_space<vmem>>, vector<16xf32>,
          tpu.vector_store_idx %arg9[%add3A_292], %get3A_295 : memref<16896xf32, #tpu.memory_space<vmem>>[vector<16xi32>], vector<16xf32>,
          %add3A_296 = arith.constant 9504 : i32
          %add3A_297 = vector.broadcast %add3A_296 : i32 to vector<16xi32>
          %add3A_298 = arith.addi %add3A_188, %add3A_297 : vector<16xi32>
          %get3A_299 = arith.index_cast %scan3A_187 : i32 to index
          %get3A_300 = arith.constant 288 : index
          %get3A_301 = tpu.vector_load %arg6[%get3A_299, %get3A_300] {strides = array<i32>} : memref<32x512xf32, #tpu.memory_space<vmem>>, vector<16xf32>,
          tpu.vector_store_idx %arg9[%add3A_298], %get3A_301 : memref<16896xf32, #tpu.memory_space<vmem>>[vector<16xi32>], vector<16xf32>,
          %add3A_302 = arith.constant 10032 : i32
          %add3A_303 = vector.broadcast %add3A_302 : i32 to vector<16xi32>
          %add3A_304 = arith.addi %add3A_188, %add3A_303 : vector<16xi32>
          %get3A_305 = arith.index_cast %scan3A_187 : i32 to index
          %get3A_306 = arith.constant 304 : index
          %get3A_307 = tpu.vector_load %arg6[%get3A_305, %get3A_306] {strides = array<i32>} : memref<32x512xf32, #tpu.memory_space<vmem>>, vector<16xf32>,
          tpu.vector_store_idx %arg9[%add3A_304], %get3A_307 : memref<16896xf32, #tpu.memory_space<vmem>>[vector<16xi32>], vector<16xf32>,
          %add3A_308 = arith.constant 10560 : i32
          %add3A_309 = vector.broadcast %add3A_308 : i32 to vector<16xi32>
          %add3A_310 = arith.addi %add3A_188, %add3A_309 : vector<16xi32>
          %get3A_311 = arith.index_cast %scan3A_187 : i32 to index
          %get3A_312 = arith.constant 320 : index
          %get3A_313 = tpu.vector_load %arg6[%get3A_311, %get3A_312] {strides = array<i32>} : memref<32x512xf32, #tpu.memory_space<vmem>>, vector<16xf32>,
          tpu.vector_store_idx %arg9[%add3A_310], %get3A_313 : memref<16896xf32, #tpu.memory_space<vmem>>[vector<16xi32>], vector<16xf32>,
          %add3A_314 = arith.constant 11088 : i32
          %add3A_315 = vector.broadcast %add3A_314 : i32 to vector<16xi32>
          %add3A_316 = arith.addi %add3A_188, %add3A_315 : vector<16xi32>
          %get3A_317 = arith.index_cast %scan3A_187 : i32 to index
          %get3A_318 = arith.constant 336 : index
          %get3A_319 = tpu.vector_load %arg6[%get3A_317, %get3A_318] {strides = array<i32>} : memref<32x512xf32, #tpu.memory_space<vmem>>, vector<16xf32>,
          tpu.vector_store_idx %arg9[%add3A_316], %get3A_319 : memref<16896xf32, #tpu.memory_space<vmem>>[vector<16xi32>], vector<16xf32>,
          %add3A_320 = arith.constant 11616 : i32
          %add3A_321 = vector.broadcast %add3A_320 : i32 to vector<16xi32>
          %add3A_322 = arith.addi %add3A_188, %add3A_321 : vector<16xi32>
          %get3A_323 = arith.index_cast %scan3A_187 : i32 to index
          %get3A_324 = arith.constant 352 : index
          %get3A_325 = tpu.vector_load %arg6[%get3A_323, %get3A_324] {strides = array<i32>} : memref<32x512xf32, #tpu.memory_space<vmem>>, vector<16xf32>,
          tpu.vector_store_idx %arg9[%add3A_322], %get3A_325 : memref<16896xf32, #tpu.memory_space<vmem>>[vector<16xi32>], vector<16xf32>,
          %add3A_326 = arith.constant 12144 : i32
          %add3A_327 = vector.broadcast %add3A_326 : i32 to vector<16xi32>
          %add3A_328 = arith.addi %add3A_188, %add3A_327 : vector<16xi32>
          %get3A_329 = arith.index_cast %scan3A_187 : i32 to index
          %get3A_330 = arith.constant 368 : index
          %get3A_331 = tpu.vector_load %arg6[%get3A_329, %get3A_330] {strides = array<i32>} : memref<32x512xf32, #tpu.memory_space<vmem>>, vector<16xf32>,
          tpu.vector_store_idx %arg9[%add3A_328], %get3A_331 : memref<16896xf32, #tpu.memory_space<vmem>>[vector<16xi32>], vector<16xf32>,
          %add3A_332 = arith.constant 12672 : i32
          %add3A_333 = vector.broadcast %add3A_332 : i32 to vector<16xi32>
          %add3A_334 = arith.addi %add3A_188, %add3A_333 : vector<16xi32>
          %get3A_335 = arith.index_cast %scan3A_187 : i32 to index
          %get3A_336 = arith.constant 384 : index
          %get3A_337 = tpu.vector_load %arg6[%get3A_335, %get3A_336] {strides = array<i32>} : memref<32x512xf32, #tpu.memory_space<vmem>>, vector<16xf32>,
          tpu.vector_store_idx %arg9[%add3A_334], %get3A_337 : memref<16896xf32, #tpu.memory_space<vmem>>[vector<16xi32>], vector<16xf32>,
          %add3A_338 = arith.constant 13200 : i32
          %add3A_339 = vector.broadcast %add3A_338 : i32 to vector<16xi32>
          %add3A_340 = arith.addi %add3A_188, %add3A_339 : vector<16xi32>
          %get3A_341 = arith.index_cast %scan3A_187 : i32 to index
          %get3A_342 = arith.constant 400 : index
          %get3A_343 = tpu.vector_load %arg6[%get3A_341, %get3A_342] {strides = array<i32>} : memref<32x512xf32, #tpu.memory_space<vmem>>, vector<16xf32>,
          tpu.vector_store_idx %arg9[%add3A_340], %get3A_343 : memref<16896xf32, #tpu.memory_space<vmem>>[vector<16xi32>], vector<16xf32>,
          %add3A_344 = arith.constant 13728 : i32
          %add3A_345 = vector.broadcast %add3A_344 : i32 to vector<16xi32>
          %add3A_346 = arith.addi %add3A_188, %add3A_345 : vector<16xi32>
          %get3A_347 = arith.index_cast %scan3A_187 : i32 to index
          %get3A_348 = arith.constant 416 : index
          %get3A_349 = tpu.vector_load %arg6[%get3A_347, %get3A_348] {strides = array<i32>} : memref<32x512xf32, #tpu.memory_space<vmem>>, vector<16xf32>,
          tpu.vector_store_idx %arg9[%add3A_346], %get3A_349 : memref<16896xf32, #tpu.memory_space<vmem>>[vector<16xi32>], vector<16xf32>,
          %add3A_350 = arith.constant 14256 : i32
          %add3A_351 = vector.broadcast %add3A_350 : i32 to vector<16xi32>
          %add3A_352 = arith.addi %add3A_188, %add3A_351 : vector<16xi32>
          %get3A_353 = arith.index_cast %scan3A_187 : i32 to index
          %get3A_354 = arith.constant 432 : index
          %get3A_355 = tpu.vector_load %arg6[%get3A_353, %get3A_354] {strides = array<i32>} : memref<32x512xf32, #tpu.memory_space<vmem>>, vector<16xf32>,
          tpu.vector_store_idx %arg9[%add3A_352], %get3A_355 : memref<16896xf32, #tpu.memory_space<vmem>>[vector<16xi32>], vector<16xf32>,
          %add3A_356 = arith.constant 14784 : i32
          %add3A_357 = vector.broadcast %add3A_356 : i32 to vector<16xi32>
          %add3A_358 = arith.addi %add3A_188, %add3A_357 : vector<16xi32>
          %get3A_359 = arith.index_cast %scan3A_187 : i32 to index
          %get3A_360 = arith.constant 448 : index
          %get3A_361 = tpu.vector_load %arg6[%get3A_359, %get3A_360] {strides = array<i32>} : memref<32x512xf32, #tpu.memory_space<vmem>>, vector<16xf32>,
          tpu.vector_store_idx %arg9[%add3A_358], %get3A_361 : memref<16896xf32, #tpu.memory_space<vmem>>[vector<16xi32>], vector<16xf32>,
          %add3A_362 = arith.constant 15312 : i32
          %add3A_363 = vector.broadcast %add3A_362 : i32 to vector<16xi32>
          %add3A_364 = arith.addi %add3A_188, %add3A_363 : vector<16xi32>
          %get3A_365 = arith.index_cast %scan3A_187 : i32 to index
          %get3A_366 = arith.constant 464 : index
          %get3A_367 = tpu.vector_load %arg6[%get3A_365, %get3A_366] {strides = array<i32>} : memref<32x512xf32, #tpu.memory_space<vmem>>, vector<16xf32>,
          tpu.vector_store_idx %arg9[%add3A_364], %get3A_367 : memref<16896xf32, #tpu.memory_space<vmem>>[vector<16xi32>], vector<16xf32>,
          %add3A_368 = arith.constant 15840 : i32
          %add3A_369 = vector.broadcast %add3A_368 : i32 to vector<16xi32>
          %add3A_370 = arith.addi %add3A_188, %add3A_369 : vector<16xi32>
          %get3A_371 = arith.index_cast %scan3A_187 : i32 to index
          %get3A_372 = arith.constant 480 : index
          %get3A_373 = tpu.vector_load %arg6[%get3A_371, %get3A_372] {strides = array<i32>} : memref<32x512xf32, #tpu.memory_space<vmem>>, vector<16xf32>,
          tpu.vector_store_idx %arg9[%add3A_370], %get3A_373 : memref<16896xf32, #tpu.memory_space<vmem>>[vector<16xi32>], vector<16xf32>,
          %add3A_374 = arith.constant 16368 : i32
          %add3A_375 = vector.broadcast %add3A_374 : i32 to vector<16xi32>
          %add3A_376 = arith.addi %add3A_188, %add3A_375 : vector<16xi32>
          %get3A_377 = arith.index_cast %scan3A_187 : i32 to index
          %get3A_378 = arith.constant 496 : index
          %get3A_379 = tpu.vector_load %arg6[%get3A_377, %get3A_378] {strides = array<i32>} : memref<32x512xf32, #tpu.memory_space<vmem>>, vector<16xf32>,
          tpu.vector_store_idx %arg9[%add3A_376], %get3A_379 : memref<16896xf32, #tpu.memory_space<vmem>>[vector<16xi32>], vector<16xf32>,
        }
        %scan3A_142 = arith.constant 32 : i32
        %add3A_143 = arith.constant 0 : i32
        %add3A_144 = vector.broadcast %add3A_143 : i32 to vector<16xi32>
        %add3A_145 = arith.addi %iota3A, %add3A_144 : vector<16xi32>
        %add3A_146 = arith.constant 16 : i32
        %add3A_147 = vector.broadcast %add3A_146 : i32 to vector<16xi32>
        %add3A_148 = arith.addi %iota3A, %add3A_147 : vector<16xi32>
        %add3A_149 = arith.constant 33 : i32
        %add3A_150 = vector.broadcast %add3A_149 : i32 to vector<16xi32>
        %add3A_151 = arith.addi %iota3A, %add3A_150 : vector<16xi32>
        %add3A_152 = arith.constant 49 : i32
        %add3A_153 = vector.broadcast %add3A_152 : i32 to vector<16xi32>
        %add3A_154 = arith.addi %iota3A, %add3A_153 : vector<16xi32>
        %add3A_155 = arith.constant 66 : i32
        %add3A_156 = vector.broadcast %add3A_155 : i32 to vector<16xi32>
        %add3A_157 = arith.addi %iota3A, %add3A_156 : vector<16xi32>
        %add3A_158 = arith.constant 82 : i32
        %add3A_159 = vector.broadcast %add3A_158 : i32 to vector<16xi32>
        %add3A_160 = arith.addi %iota3A, %add3A_159 : vector<16xi32>
        %add3A_161 = arith.constant 99 : i32
        %add3A_162 = vector.broadcast %add3A_161 : i32 to vector<16xi32>
        %add3A_163 = arith.addi %iota3A, %add3A_162 : vector<16xi32>
        %add3A_164 = arith.constant 115 : i32
        %add3A_165 = vector.broadcast %add3A_164 : i32 to vector<16xi32>
        %add3A_166 = arith.addi %iota3A, %add3A_165 : vector<16xi32>
        %scan3A_167 = arith.constant 0 : i32
        %scan3A_168 = arith.constant 0 : i32
        %scan3A_169 = arith.constant 128 : i32
        %scan3A_170 = arith.addi %scan3A_168, %scan3A_169 : i32
        %scan3A_171 = arith.constant 1 : i32
        scf.for %scan3A_187 = %scan3A_168 to %scan3A_170 step %scan3A_171  : i32 {
          %mul3A_188 = arith.constant 132 : i32
          %mul3A_189 = arith.muli %scan3A_187, %mul3A_188 : i32
          %broadcast_in_dim3A = vector.broadcast %mul3A_189 : i32 to vector<16xi32>
          %add3A_190 = arith.addi %broadcast_in_dim3A, %add3A_145 : vector<16xi32>
          %gather3A = tpu.vector_load_idx %arg9[%add3A_190] : memref<16896xf32, #tpu.memory_space<vmem>>[vector<16xi32>], vector<16xf32>,
          %swap3A = arith.index_cast %scan3A_187 : i32 to index
          %swap3A_191 = arith.constant 0 : index
          %swap3A_192 = tpu.vector_load %arg8[%swap3A, %swap3A_191] {strides = array<i32>} : memref<128x128xf32, #tpu.memory_space<vmem>>, vector<16xf32>,
          tpu.vector_store %arg8[%swap3A, %swap3A_191], %gather3A {strides = array<i32>} : memref<128x128xf32, #tpu.memory_space<vmem>>, vector<16xf32>,
          %add3A_193 = arith.addi %broadcast_in_dim3A, %add3A_148 : vector<16xi32>
          %gather3A_194 = tpu.vector_load_idx %arg9[%add3A_193] : memref<16896xf32, #tpu.memory_space<vmem>>[vector<16xi32>], vector<16xf32>,
          %swap3A_195 = arith.index_cast %scan3A_187 : i32 to index
          %swap3A_196 = arith.constant 16 : index
          %swap3A_197 = tpu.vector_load %arg8[%swap3A_195, %swap3A_196] {strides = array<i32>} : memref<128x128xf32, #tpu.memory_space<vmem>>, vector<16xf32>,
          tpu.vector_store %arg8[%swap3A_195, %swap3A_196], %gather3A_194 {strides = array<i32>} : memref<128x128xf32, #tpu.memory_space<vmem>>, vector<16xf32>,
          %add3A_198 = arith.addi %broadcast_in_dim3A, %add3A_151 : vector<16xi32>
          %gather3A_199 = tpu.vector_load_idx %arg9[%add3A_198] : memref<16896xf32, #tpu.memory_space<vmem>>[vector<16xi32>], vector<16xf32>,
          %swap3A_200 = arith.index_cast %scan3A_187 : i32 to index
          %swap3A_201 = arith.constant 32 : index
          %swap3A_202 = tpu.vector_load %arg8[%swap3A_200, %swap3A_201] {strides = array<i32>} : memref<128x128xf32, #tpu.memory_space<vmem>>, vector<16xf32>,
          tpu.vector_store %arg8[%swap3A_200, %swap3A_201], %gather3A_199 {strides = array<i32>} : memref<128x128xf32, #tpu.memory_space<vmem>>, vector<16xf32>,
          %add3A_203 = arith.addi %broadcast_in_dim3A, %add3A_154 : vector<16xi32>
          %gather3A_204 = tpu.vector_load_idx %arg9[%add3A_203] : memref<16896xf32, #tpu.memory_space<vmem>>[vector<16xi32>], vector<16xf32>,
          %swap3A_205 = arith.index_cast %scan3A_187 : i32 to index
          %swap3A_206 = arith.constant 48 : index
          %swap3A_207 = tpu.vector_load %arg8[%swap3A_205, %swap3A_206] {strides = array<i32>} : memref<128x128xf32, #tpu.memory_space<vmem>>, vector<16xf32>,
          tpu.vector_store %arg8[%swap3A_205, %swap3A_206], %gather3A_204 {strides = array<i32>} : memref<128x128xf32, #tpu.memory_space<vmem>>, vector<16xf32>,
          %add3A_208 = arith.addi %broadcast_in_dim3A, %add3A_157 : vector<16xi32>
          %gather3A_209 = tpu.vector_load_idx %arg9[%add3A_208] : memref<16896xf32, #tpu.memory_space<vmem>>[vector<16xi32>], vector<16xf32>,
          %swap3A_210 = arith.index_cast %scan3A_187 : i32 to index
          %swap3A_211 = arith.constant 64 : index
          %swap3A_212 = tpu.vector_load %arg8[%swap3A_210, %swap3A_211] {strides = array<i32>} : memref<128x128xf32, #tpu.memory_space<vmem>>, vector<16xf32>,
          tpu.vector_store %arg8[%swap3A_210, %swap3A_211], %gather3A_209 {strides = array<i32>} : memref<128x128xf32, #tpu.memory_space<vmem>>, vector<16xf32>,
          %add3A_213 = arith.addi %broadcast_in_dim3A, %add3A_160 : vector<16xi32>
          %gather3A_214 = tpu.vector_load_idx %arg9[%add3A_213] : memref<16896xf32, #tpu.memory_space<vmem>>[vector<16xi32>], vector<16xf32>,
          %swap3A_215 = arith.index_cast %scan3A_187 : i32 to index
          %swap3A_216 = arith.constant 80 : index
          %swap3A_217 = tpu.vector_load %arg8[%swap3A_215, %swap3A_216] {strides = array<i32>} : memref<128x128xf32, #tpu.memory_space<vmem>>, vector<16xf32>,
          tpu.vector_store %arg8[%swap3A_215, %swap3A_216], %gather3A_214 {strides = array<i32>} : memref<128x128xf32, #tpu.memory_space<vmem>>, vector<16xf32>,
          %add3A_218 = arith.addi %broadcast_in_dim3A, %add3A_163 : vector<16xi32>
          %gather3A_219 = tpu.vector_load_idx %arg9[%add3A_218] : memref<16896xf32, #tpu.memory_space<vmem>>[vector<16xi32>], vector<16xf32>,
          %swap3A_220 = arith.index_cast %scan3A_187 : i32 to index
          %swap3A_221 = arith.constant 96 : index
          %swap3A_222 = tpu.vector_load %arg8[%swap3A_220, %swap3A_221] {strides = array<i32>} : memref<128x128xf32, #tpu.memory_space<vmem>>, vector<16xf32>,
          tpu.vector_store %arg8[%swap3A_220, %swap3A_221], %gather3A_219 {strides = array<i32>} : memref<128x128xf32, #tpu.memory_space<vmem>>, vector<16xf32>,
          %add3A_223 = arith.addi %broadcast_in_dim3A, %add3A_166 : vector<16xi32>
          %gather3A_224 = tpu.vector_load_idx %arg9[%add3A_223] : memref<16896xf32, #tpu.memory_space<vmem>>[vector<16xi32>], vector<16xf32>,
          %swap3A_225 = arith.index_cast %scan3A_187 : i32 to index
          %swap3A_226 = arith.constant 112 : index
          %swap3A_227 = tpu.vector_load %arg8[%swap3A_225, %swap3A_226] {strides = array<i32>} : memref<128x128xf32, #tpu.memory_space<vmem>>, vector<16xf32>,
          tpu.vector_store %arg8[%swap3A_225, %swap3A_226], %gather3A_224 {strides = array<i32>} : memref<128x128xf32, #tpu.memory_space<vmem>>, vector<16xf32>,
        }
        %scan3A_172 = arith.constant 128 : i32
        %mul3A_173 = arith.constant 128 : i32
        %mul3A_174 = arith.muli %add3A_119, %mul3A_173 : i32
        %multiple_of3A_175 = tpu.assume_multiple %mul3A_174, 128 : i32
        %dma_start3A_176 = arith.constant 0 : i32
        %dma_start3A_177 = tpu.memref_slice %arg4[%multiple_of3A_175, %dma_start3A_176] : memref<250000x128xf32, #tpu.memory_space<hbm>> -> memref<128x128xf32, #tpu.memory_space<hbm>>
        %dma_start3A_178 = arith.constant 0 : i32
        %dma_start3A_179 = tpu.memref_slice %arg4[%multiple_of3A_175, %dma_start3A_178] : memref<250000x128xf32, #tpu.memory_space<hbm>> -> memref<128x128xf32, #tpu.memory_space<hbm>>
        tpu.enqueue_dma source(%arg8 : memref<128x128xf32, #tpu.memory_space<vmem>>) target(%dma_start3A_179 : memref<128x128xf32, #tpu.memory_space<hbm>>) target_semaphore(%arg13 : memref<!tpu.dma_semaphore, #tpu.memory_space<semaphore_mem>>)
        %add3A_180 = arith.constant 64 : i32
        %add3A_181 = arith.addi %add3A_119, %add3A_180 : i32
        %lt3A_182 = arith.constant 1953 : i32
        %lt3A_183 = arith.cmpi slt, %add3A_181, %lt3A_182 : i32
        %convert_element_type3A_184 = arith.extui %lt3A_183 : i1 to i32
        %cond3A_185 = arith.constant 0 : i32
        %cond3A_186 = arith.cmpi ne, %convert_element_type3A_184, %cond3A_185 : i32
        scf.if %cond3A_186 {
          %add3A_187 = arith.constant 64 : i32
          %add3A_188 = arith.addi %add3A_119, %add3A_187 : i32
          %mul3A_189 = arith.constant 512 : i32
          %mul3A_190 = arith.muli %add3A_188, %mul3A_189 : i32
          %multiple_of3A_191 = tpu.assume_multiple %mul3A_190, 512 : i32
          %dma_start3A_192 = arith.constant 0 : i32
          %dma_start3A_193 = tpu.memref_slice %arg2[%dma_start3A_192, %multiple_of3A_191] : memref<32x1000000xf32, #tpu.memory_space<hbm>> -> memref<32x512xf32, #tpu.memory_space<hbm>>
          %dma_start3A_194 = arith.constant 0 : i32
          %dma_start3A_195 = tpu.memref_slice %arg2[%dma_start3A_194, %multiple_of3A_191] : memref<32x1000000xf32, #tpu.memory_space<hbm>> -> memref<32x512xf32, #tpu.memory_space<hbm>>
          tpu.enqueue_dma source(%dma_start3A_195 : memref<32x512xf32, #tpu.memory_space<hbm>>) target(%arg6 : memref<32x512xf32, #tpu.memory_space<vmem>>) target_semaphore(%arg11 : memref<!tpu.dma_semaphore, #tpu.memory_space<semaphore_mem>>)
        } else {
        }
      } else {
      }
    }
    %scan3A_30 = arith.constant 31 : i32
    %add3A_31 = arith.constant 1920 : i32
    %add3A_32 = arith.addi %add3A, %add3A_31 : i32
    %mul3A_33 = arith.constant 128 : i32
    %mul3A_34 = arith.muli %add3A_32, %mul3A_33 : i32
    %multiple_of3A_35 = tpu.assume_multiple %mul3A_34, 128 : i32
    %dma_wait3A = arith.constant 0 : i32
    %dma_wait3A_36 = tpu.memref_slice %arg4[%multiple_of3A_35, %dma_wait3A] : memref<250000x128xf32, #tpu.memory_space<hbm>> -> memref<128x128xf32, #tpu.memory_space<hbm>>
    %dma_wait3A_37 = arith.constant 0 : i32
    %dma_wait3A_38 = tpu.memref_slice %arg4[%multiple_of3A_35, %dma_wait3A_37] : memref<250000x128xf32, #tpu.memory_space<hbm>> -> memref<128x128xf32, #tpu.memory_space<hbm>>
    tpu.wait_dma2 semaphore(%arg12 : memref<!tpu.dma_semaphore, #tpu.memory_space<semaphore_mem>>) src(%arg7 : memref<128x128xf32, #tpu.memory_space<vmem>>) dst(%dma_wait3A_38 : memref<128x128xf32, #tpu.memory_space<hbm>>)
    %eq3A = arith.constant 0 : i32
    %eq3A_39 = arith.cmpi eq, %add3A, %eq3A : i32
    %add3A_40 = arith.constant 32 : i32
    %add3A_41 = arith.addi %add3A, %add3A_40 : i32
    %add3A_42 = arith.constant 1856 : i32
    %add3A_43 = arith.addi %add3A_41, %add3A_42 : i32
    %jit3A = arith.constant 1952 : i32
    %select_n3A = arith.select %eq3A_39, %jit3A, %add3A_43 : i32
    %mul3A_44 = arith.constant 128 : i32
    %mul3A_45 = arith.muli %select_n3A, %mul3A_44 : i32
    %multiple_of3A_46 = tpu.assume_multiple %mul3A_45, 128 : i32
    %dma_wait3A_47 = arith.constant 0 : i32
    %dma_wait3A_48 = tpu.memref_slice %arg4[%multiple_of3A_46, %dma_wait3A_47] : memref<250000x128xf32, #tpu.memory_space<hbm>> -> memref<128x128xf32, #tpu.memory_space<hbm>>
    %dma_wait3A_49 = arith.constant 0 : i32
    %dma_wait3A_50 = tpu.memref_slice %arg4[%multiple_of3A_46, %dma_wait3A_49] : memref<250000x128xf32, #tpu.memory_space<hbm>> -> memref<128x128xf32, #tpu.memory_space<hbm>>
    tpu.wait_dma2 semaphore(%arg13 : memref<!tpu.dma_semaphore, #tpu.memory_space<semaphore_mem>>) src(%arg8 : memref<128x128xf32, #tpu.memory_space<vmem>>) dst(%dma_wait3A_50 : memref<128x128xf32, #tpu.memory_space<hbm>>)
    %eq3A_51 = arith.constant 31 : i32
    %eq3A_52 = arith.cmpi eq, %add3A, %eq3A_51 : i32
    %convert_element_type3A = arith.extui %eq3A_52 : i1 to i32
    %cond3A = arith.constant 0 : i32
    %cond3A_53 = arith.cmpi ne, %convert_element_type3A, %cond3A : i32
    scf.if %cond3A_53 {
      "tpu.region"() ({
        %run_scoped3A = tpu.sem_alloc : memref<!tpu.dma_semaphore, #tpu.memory_space<semaphore_mem>>
        %dma_start3A_54 = arith.constant 0 : i32
        %dma_start3A_55 = arith.constant 0 : i32
        %dma_start3A_56 = tpu.memref_slice %arg7[%dma_start3A_54, %dma_start3A_55] : memref<128x128xf32, #tpu.memory_space<vmem>> -> memref<16x128xf32, #tpu.memory_space<vmem>>
        %dma_start3A_57 = arith.constant 0 : i32
        %dma_start3A_58 = arith.constant 0 : i32
        %dma_start3A_59 = tpu.memref_slice %arg7[%dma_start3A_57, %dma_start3A_58] : memref<128x128xf32, #tpu.memory_space<vmem>> -> memref<16x128xf32, #tpu.memory_space<vmem>>
        tpu.enqueue_dma source(%arg3 : memref<16x128xf32, #tpu.memory_space<hbm>>) target(%dma_start3A_59 : memref<16x128xf32, #tpu.memory_space<vmem>>) target_semaphore(%run_scoped3A : memref<!tpu.dma_semaphore, #tpu.memory_space<semaphore_mem>>)
        %dma_wait3A_60 = arith.constant 0 : i32
        %dma_wait3A_61 = arith.constant 0 : i32
        %dma_wait3A_62 = tpu.memref_slice %arg7[%dma_wait3A_60, %dma_wait3A_61] : memref<128x128xf32, #tpu.memory_space<vmem>> -> memref<16x128xf32, #tpu.memory_space<vmem>>
        %dma_wait3A_63 = arith.constant 0 : i32
        %dma_wait3A_64 = arith.constant 0 : i32
        %dma_wait3A_65 = tpu.memref_slice %arg7[%dma_wait3A_63, %dma_wait3A_64] : memref<128x128xf32, #tpu.memory_space<vmem>> -> memref<16x128xf32, #tpu.memory_space<vmem>>
        tpu.wait_dma2 semaphore(%run_scoped3A : memref<!tpu.dma_semaphore, #tpu.memory_space<semaphore_mem>>) src(%arg3 : memref<16x128xf32, #tpu.memory_space<hbm>>) dst(%dma_wait3A_65 : memref<16x128xf32, #tpu.memory_space<vmem>>)
        tpu.yield
      }) : () -> ()
      "tpu.region"() ({
        %run_scoped3A = tpu.sem_alloc : memref<!tpu.dma_semaphore, #tpu.memory_space<semaphore_mem>>
        %dma_start3A_54 = arith.constant 0 : i32
        %dma_start3A_55 = arith.constant 0 : i32
        %dma_start3A_56 = tpu.memref_slice %arg7[%dma_start3A_54, %dma_start3A_55] : memref<128x128xf32, #tpu.memory_space<vmem>> -> memref<16x128xf32, #tpu.memory_space<vmem>>
        %dma_start3A_57 = arith.constant 249984 : i32
        %dma_start3A_58 = arith.constant 0 : i32
        %dma_start3A_59 = tpu.memref_slice %arg4[%dma_start3A_57, %dma_start3A_58] : memref<250000x128xf32, #tpu.memory_space<hbm>> -> memref<16x128xf32, #tpu.memory_space<hbm>>
        %dma_start3A_60 = arith.constant 249984 : i32
        %dma_start3A_61 = arith.constant 0 : i32
        %dma_start3A_62 = tpu.memref_slice %arg4[%dma_start3A_60, %dma_start3A_61] : memref<250000x128xf32, #tpu.memory_space<hbm>> -> memref<16x128xf32, #tpu.memory_space<hbm>>
        %dma_start3A_63 = arith.constant 0 : i32
        %dma_start3A_64 = arith.constant 0 : i32
        %dma_start3A_65 = tpu.memref_slice %arg7[%dma_start3A_63, %dma_start3A_64] : memref<128x128xf32, #tpu.memory_space<vmem>> -> memref<16x128xf32, #tpu.memory_space<vmem>>
        tpu.enqueue_dma source(%dma_start3A_65 : memref<16x128xf32, #tpu.memory_space<vmem>>) target(%dma_start3A_62 : memref<16x128xf32, #tpu.memory_space<hbm>>) target_semaphore(%run_scoped3A : memref<!tpu.dma_semaphore, #tpu.memory_space<semaphore_mem>>)
        %dma_wait3A_66 = arith.constant 0 : i32
        %dma_wait3A_67 = arith.constant 0 : i32
        %dma_wait3A_68 = tpu.memref_slice %arg7[%dma_wait3A_66, %dma_wait3A_67] : memref<128x128xf32, #tpu.memory_space<vmem>> -> memref<16x128xf32, #tpu.memory_space<vmem>>
        %dma_wait3A_69 = arith.constant 249984 : i32
        %dma_wait3A_70 = arith.constant 0 : i32
        %dma_wait3A_71 = tpu.memref_slice %arg4[%dma_wait3A_69, %dma_wait3A_70] : memref<250000x128xf32, #tpu.memory_space<hbm>> -> memref<16x128xf32, #tpu.memory_space<hbm>>
        %dma_wait3A_72 = arith.constant 249984 : i32
        %dma_wait3A_73 = arith.constant 0 : i32
        %dma_wait3A_74 = tpu.memref_slice %arg4[%dma_wait3A_72, %dma_wait3A_73] : memref<250000x128xf32, #tpu.memory_space<hbm>> -> memref<16x128xf32, #tpu.memory_space<hbm>>
        %dma_wait3A_75 = arith.constant 0 : i32
        %dma_wait3A_76 = arith.constant 0 : i32
        %dma_wait3A_77 = tpu.memref_slice %arg7[%dma_wait3A_75, %dma_wait3A_76] : memref<128x128xf32, #tpu.memory_space<vmem>> -> memref<16x128xf32, #tpu.memory_space<vmem>>
        tpu.wait_dma2 semaphore(%run_scoped3A : memref<!tpu.dma_semaphore, #tpu.memory_space<semaphore_mem>>) src(%dma_wait3A_77 : memref<16x128xf32, #tpu.memory_space<vmem>>) dst(%dma_wait3A_74 : memref<16x128xf32, #tpu.memory_space<hbm>>)
        tpu.yield
      }) : () -> ()
    } else {
    }
    return
  }
}

</mosaic_0001>

<sc_bundles>
// kernel: _pack_target.3.cloned.1.call-start
scs
__scs_entry_jumppad:
0x0: {  	(pc) =	sbr.rel $0x88, $3  }
0x1: {  	(tag) =	ssettag $0x0;
	lr =	simm.s32 $0x1  }
0x2: {  	[smem:$0x3F9F] =	sst lr;
	_ =	strace $0xD0000000  }
0x3: {  	_ = 	snop  }
0x4: {  	_ = 	snop  }
0x5: {  	_ = 	snop  }
0x6: {  	_ = 	snop  }
0x7: {  	_ = 	snop  }
__scs_overlays_trampoline_lowered:
0x8: {  	[smem:$0x3FAE] =	sst s0  }
0x9: {  	[smem:$0x3FAF] =	sst s1  }
0xa: {  	[smem:$0x3FB0] =	sst s2  }
0xb: {  	[smem:$0x3FB1] =	sst s3  }
0xc: {  	[smem:$0x3FB2] =	sst s4  }
0xd: {  	[smem:$0x3FB3] =	sst s5  }
0xe: {  	[smem:$0x3FB4] =	sst s6  }
0xf: {  	[smem:$0x3FB5] =	sst s7  }
0x10: {  	[smem:$0x3FB6] =	sst s8  }
0x11: {  	[smem:$0x3FB7] =	sst s9;
	s0 =	simm.s32 @!p0 $0x0  }
0x12: {  	s1 =	sld [smem:$0x3F9D];
	s0 =	simm.s32 @p0 $0x1  }
0x13: {  	[smem:$0x3FB8] =	sst s0;
	s0 =	simm.s32 @!p1 $0x0  }
0x14: {  	s2 =	sld [smem:$0x3F9C];
	s0 =	simm.s32 @p1 $0x1  }
0x15: {  	[smem:$0x3FB9] =	sst s0;
	s0 =	simm.s32 @!p2 $0x0  }
0x16: {  	s3 =	sld [smem:$0x3FDB];
	s0 =	simm.s32 @p2 $0x1  }
0x17: {  	s4 =	simm.s32 $0x1BF5;
	[smem:$0x3FBB] =	sst s0  }
0x18: {  	s0 =	sld [smem:$0x3F9E];
	_ =	swait.ge [sflag:s4], $0x0  }
0x19: {  	s7 =	sld [smem:$0x3F9F]  }
0x1a: {  	s8 =	sadd.s32 $0xFFFFE003, lr  }
0x1b: {  	s9 =	sadd.s32 $0xFFFFFEF7, lr;
	s5 =	simm.s32 $0xFFFFFFFF;
	p2 =	slt.u32 s8, $0xFFFFF086  }
0x1c: {  	p1 =	slt.u32 s9, $0xF7A;
	s5 =	simm.s32 @!p2 $0x0  }
0x1d: {  	s5 =	simm.s32 @p1 $0x1;
	p0 =	seq.s32 s7, s2  }
0x1e: {  	s7 =	smul.u32 @!p0 $0xF7A, s2;
	p2 =	seq.s32 @!p0 s5, $0x0  }
0x1f: {  	s9 =	smul.u32 $0xF7A, s1;
	s8 =	simm.s32 @!p0 $0x1BF5;
	p2 =	por !p2, p0  }
0x20: {  	[sflag:s8] =	ssyncset.s32 @!p0 $0xFFFFF086;
	s6 =	sadd.s32 @!p0 s3, s7;
	s7 =	simm.s32 @!p0 $0x108  }
0x21: {  	s3 =	sadd.s32 s3, s9;
	s6 =	sadd.s32 @!p0 $0x88, s6;
	s7 =	simm.s32 @p2 $0x1082  }
0x22: {  	[simem:s7], [sflag:s8] =	dma.local @!p0 [hbm:s6], $0xF7A  }
0x23: {  	s9 =	sor.u32 $0xD0000000, s2;
	s6 =	simm.s32 $0x108;
	_ =	swait.ge @!p0 [sflag:s8], $0x0  }
0x24: {  	s3 =	sadd.s32 $0x88, s3;
	s6 =	simm.s32 @!p1 $0x1082;
	[sflag:s4] =	ssyncset.s32 $0xFFFFF086  }
0x25: {  	[simem:s6], [sflag:s4] =	dma.local [hbm:s3], $0xF7A  }
0x26: {  	[smem:$0x3F9F] =	sst s1;
	(tag) =	ssettag s2;
	_ =	strace s9  }
0x27: {  	s1 =	sld [smem:$0x3FAF]  }
0x28: {  	s2 =	sld [smem:$0x3FB0]  }
0x29: {  	s4 =	sld [smem:$0x3FB2]  }
0x2a: {  	p0 =	seq.s32 s5, $0x0;
	s5 =	sld [smem:$0x3FB3]  }
0x2b: {  	s6 =	sld [smem:$0x3FB4]  }
0x2c: {  	s7 =	sld [smem:$0x3FB5]  }
0x2d: {  	s3 =	simm.s32 $0x108;
	s8 =	sld [smem:$0x3FB6]  }
0x2e: {  	s3 =	simm.s32 @!p0 $0x1082;
	s9 =	sld [smem:$0x3FB7]  }
0x2f: {  	lr =	sadd.s32 s0, s3;
	s0 =	sld [smem:$0x3FAE]  }
0x30: {  	s3 =	sld [smem:$0x3FB1]  }
0x31: {  	[smem:$0x3FBA] =	sst s10  }
0x32: {  	s10 =	sld [smem:$0x3FB8];
	_ =	sdelay $0x3  }
0x33: {  	p0 =	seq.s32 s10, $0x1;
	s10 =	sld [smem:$0x3FBA];
	_ =	sdelay $0x3  }
0x34: {  	[smem:$0x3FBA] =	sst s10  }
0x35: {  	s10 =	sld [smem:$0x3FB9];
	_ =	sdelay $0x3  }
0x36: {  	p1 =	seq.s32 s10, $0x1;
	s10 =	sld [smem:$0x3FBA];
	_ =	sdelay $0x3  }
0x37: {  	[smem:$0x3FBA] =	sst s10  }
0x38: {  	s10 =	sld [smem:$0x3FBB]  }
0x39: {  	_ = 	snop;
	(pc) =	sbr.ind lr, $3  }
0x3a: {  	_ = 	snop  }
0x3b: {  	_ = 	snop  }
0x3c: {  	p2 =	seq.s32 s10, $0x1;
	s10 =	sld [smem:$0x3FBA]  }
0x3d: {  	_ =	shalt  }
0x3e: {  	_ =	shalt  }
0x3f: {  	_ =	shalt  }
0x40: {  	_ =	shalt  }
0x41: {  	_ =	shalt  }
0x42: {  	_ =	shalt  }
0x43: {  	_ =	shalt  }
0x44: {  	_ =	shalt  }
0x45: {  	_ =	shalt  }
0x46: {  	_ =	shalt  }
0x47: {  	_ =	shalt  }
0x48: {  	_ =	shalt  }
0x49: {  	_ =	shalt  }
0x4a: {  	_ =	shalt  }
0x4b: {  	_ =	shalt  }
0x4c: {  	_ =	shalt  }
0x4d: {  	_ =	shalt  }
0x4e: {  	_ =	shalt  }
0x4f: {  	_ =	shalt  }
0x50: {  	_ =	shalt  }
0x51: {  	_ =	shalt  }
0x52: {  	_ =	shalt  }
0x53: {  	_ =	shalt  }
0x54: {  	_ =	shalt  }
0x55: {  	_ =	shalt  }
0x56: {  	_ =	shalt  }
0x57: {  	_ =	shalt  }
0x58: {  	_ =	shalt  }
0x59: {  	_ =	shalt  }
0x5a: {  	_ =	shalt  }
0x5b: {  	_ =	shalt  }
0x5c: {  	_ =	shalt  }
0x5d: {  	_ =	shalt  }
0x5e: {  	_ =	shalt  }
0x5f: {  	_ =	shalt  }
0x60: {  	_ =	shalt  }
0x61: {  	_ =	shalt  }
0x62: {  	_ =	shalt  }
0x63: {  	_ =	shalt  }
0x64: {  	_ =	shalt  }
0x65: {  	_ =	shalt  }
0x66: {  	_ =	shalt  }
0x67: {  	_ =	shalt  }
0x68: {  	_ =	shalt  }
0x69: {  	_ =	shalt  }
0x6a: {  	_ =	shalt  }
0x6b: {  	_ =	shalt  }
0x6c: {  	_ =	shalt  }
0x6d: {  	_ =	shalt  }
0x6e: {  	_ =	shalt  }
0x6f: {  	_ =	shalt  }
0x70: {  	_ =	shalt  }
0x71: {  	_ =	shalt  }
0x72: {  	_ =	shalt  }
0x73: {  	_ =	shalt  }
0x74: {  	_ =	shalt  }
0x75: {  	_ =	shalt  }
0x76: {  	_ =	shalt  }
0x77: {  	_ =	shalt  }
0x78: {  	_ =	shalt  }
0x79: {  	_ =	shalt  }
0x7a: {  	_ =	shalt  }
0x7b: {  	_ =	shalt  }
0x7c: {  	_ =	shalt  }
0x7d: {  	_ =	shalt  }
0x7e: {  	_ =	shalt  }
0x7f: {  	_ =	shalt  }
0x80: {  	_ =	shalt  }
0x81: {  	_ =	shalt  }
0x82: {  	_ =	shalt  }
0x83: {  	_ =	shalt  }
0x84: {  	_ =	shalt  }
0x85: {  	_ =	shalt  }
0x86: {  	_ =	shalt  }
0x87: {  	_ =	shalt  }
.Lfunc_end0:
.L_simem_size_0:
called_computation_lowered:
.L_overlay_start_0:
0x88: {  	s2 =	sld [smem:$0x3FD9]  }
0x89: {  	s3 =	sld [smem:$0x3FFE];
	_ =	sdelay $0x1  }
0x8a: {  	s1 =	srdreg.scid  }
0x8b: {  	s0 =	sand.u32 $0x1, s1  }
0x8c: {  	s18 =	sshll.u32 s0, $0xA;
	s2 =	sadd.s32 s3, s2  }
0x8d: {  	s2 =	sadd.s32 s2, s18  }
0x8e: {  	[smem:$0x3FC6] =	sst s2  }
0x8f: {  	_ = 	snop  }
0x90: {  	s2 =	sld [smem:$0x3FC9]  }
0x91: {  	s19 =	sld [smem:$0x3FC8]  }
0x92: {  	s4 =	sld [smem:$0x3FD0];
	(tm) =	ssettm $0x1  }
0x93: {  	s5 =	sld [smem:$0x3FFB];
	_ =	sdelay $0x3  }
0x94: {  	_ =	strace s5  }
0x95: {  	s5 =	sld [smem:$0x3FFC];
	_ =	sdelay $0x3  }
0x96: {  	_ =	strace s5  }
0x97: {  	s5 =	sld [smem:$0x3FFD];
	_ =	sdelay $0x3  }
0x98: {  	_ =	strace s5  }
0x99: {  	_ =	strace $0x8FFFFFFF  }
0x9a: {  	s20 =	sld [smem:$0x3FDB];
	_ =	sdelay $0x1  }
0x9b: {  	s6 =	simm.s32 $_scs_section_size  }
0x9c: {  	s7 =	simm.s32 $_size__tile_overlayer_lowered;
	s8 =	simm.s32 $_tile_overlayer_lowered  }
0x9d: {  	s23 =	simm.s32 $0x1BFF;
	s22 =	sshll.u32 s8, $0x1;
	s5 =	sadd.s32 s6, s20  }
0x9e: {  	s9 =	simm.s32 $0x0;
	s21 =	sshll.u32 s7, $0x1;
	s7 =	sadd.s32 s22, s5  }
0x9f: {  	[timem:s9], [sflag:s23] =	dma.local [hbm:s7], s21  }
0xa0: {  	_ =	swait.ge [sflag:s23], s21  }
0xa1: {  	s6 =	ssub.s32 $0x0, s21;
	[sflag:s23] =	ssyncset.done $0x0  }
0xa2: {  	[sflag:s23] =	ssyncadd.s32 s6;
	_ =	sdelay $0x1  }
0xa3: {  	s24 =	simm.s32 $0x1B8B  }
0xa4: {  	_ =	swait.ge [sflag:s24], $0x1  }
0xa5: {  	[sflag:s24] =	ssyncset.done $0x0  }
0xa6: {  	s25 =	simm.s32 $0x1B8E;
	[sflag:s24] =	ssyncadd.s32 $0xFFFFFFFF  }
0xa7: {  	s26 =	simm.s32 $execute0_lowered;
	[smem:$0x3FD2] =	sst s25  }
0xa8: {  	s6 =	sshll.u32 s26, $0x1;
	_ =	strace $0x80000046;
	[dreg:$0x1] =	wrdreg $0xFFFFFFFF  }
0xa9: {  	s28 =	simm.s32 $_size_execute0_lowered;
	s5 =	sadd.s32 s5, s6;
	[dreg:$0x0] =	wrdreg $0x0  }
0xaa: {  	s6 =	sshll.u32 s28, $0x1;
	[dreg:$0x2] =	wrdreg s5  }
0xab: {  	[dreg:$0x3] =	wrdreg s6  }
0xac: {  	[dreg:$0x4] =	wrdreg $0xC0  }
0xad: {  	_ =	task [dreg:s9], $0x5FFFF  }
0xae: {  	[dreg:$0x1] =	wrdreg $0xFFFFFFFF  }
0xaf: {  	[dreg:$0x0] =	wrdreg $0x60  }
0xb0: {  	[dreg:$0x2] =	wrdreg s2  }
0xb1: {  	[dreg:$0x3] =	wrdreg s19  }
0xb2: {  	[dreg:$0x4] =	wrdreg s4  }
0xb3: {  	[dreg:$0x5] =	wrdreg $0x9  }
0xb4: {  	_ =	task.clear_ibuf [dreg:s9], $0x6FFFF;
	_ =	strace $0x90000046  }
0xb5: {  	s29 =	simm.s32 $0x9;
	_ =	strace $0x80000048  }
0xb6: {  	_ =	swait.ge [sflag:s29], $0x1  }
0xb7: {  	[sflag:s29] =	ssyncadd.s32 $0xFFFFFFFF  }
0xb8: {  	_ =	strace $0x90000048  }
0xb9: {  	_ =	sfence  }
0xba: {  	s30 =	sld [smem:$0x0];
	_ =	sdelay $0x2  }
0xbb: {  	s31 =	sshll.u32 s1, $0xD;
	s1 =	sshrl.u32 s1, $0x2  }
0xbc: {  	s3 =	sand.u32 $0x4000, s31;
	s1 =	sadd.s32 s1, s30  }
0xbd: {  	s0 =	sor.u32 s3, s0;
	s1 =	sshll.u32 s1, $0x11  }
0xbe: {  	s0 =	sor.u32 s1, s0  }
0xbf: {  	s0 =	sadd.s32 $0x8F2B, s0  }
0xc0: {  	[sflag:s0] =	ssyncadd.remote.s32 $0x1  }
0xc1: {  	_ =	sfence.sel $0xFFFF  }
0xc2: {  	[dreg:$0x0] =	wrdreg $0xFFFFFFFF;
	(pc) =	sbr.abs _section_cstart, $3  }
0xc3: {  	[dreg:$0x1] =	wrdreg $0xFFFFFFFF  }
0xc4: {  	_ =	task.clear_ibuf [dreg:s9], $0x2FFFF;
	_ =	strace $0x9FFFFFFF  }
0xc5: {  	(tm) =	ssettm $0x7FFFFFFF  }
tec
execute0_lowered:
.L_overlay_start_1:
0x0: {  	(tag) =	ssettag $0x1  }
0x1: {  	v0 =	vlaneseq.u32  }
0x2: {  	s1 =	rddreg [dreg:$0x0];
	v1 =	vmul.u32 $0x21, v0;
	v33 =	vor.u32 $0x10, v0;
	v34 =	vadd.s32 $0x21, v0  }
0x3: {  	s0 =	rddreg [dreg:$0x1];
	v35 =	vadd.s32 $0x31, v0;
	v36 =	vadd.s32 $0x42, v0;
	v37 =	vadd.s32 $0x52, v0  }
0x4: {  	s2 =	srdreg.scid;
	s4 =	stileid.u32;
	v38 =	vadd.s32 $0x63, v0;
	v39 =	vadd.s32 $0x73, v0;
	v2 =	vadd.s32 $0x210, v1  }
0x5: {  	s3 =	rddreg [dreg:$0x2];
	s11 =	simm.s32 $0x1000;
	s13 =	simm.s32 $0x7A1400;
	v3 =	vadd.s32 $0x420, v1;
	v4 =	vadd.s32 $0x630, v1;
	v5 =	vadd.s32 $0x840, v1  }
0x6: {  	s14 =	simm.s32 $0x4000;
	s15 =	simm.s32 $0x1;
	s16 =	simm.s32 $0x10000;
	v6 =	vadd.s32 $0xA50, v1;
	v7 =	vadd.s32 $0xC60, v1;
	v8 =	vadd.s32 $0xE70, v1  }
0x7: {  	s17 =	simm.s32 $0x8000;
	s18 =	simm.s32 $0x2;
	s19 =	simm.s32 $0xC000;
	v9 =	vadd.s32 $0x1080, v1;
	v10 =	vadd.s32 $0x1290, v1;
	v11 =	vadd.s32 $0x14A0, v1  }
0x8: {  	s20 =	simm.s32 $0x3;
	s21 =	simm.s32 $0x4;
	s22 =	simm.s32 $0x0;
	v12 =	vadd.s32 $0x16B0, v1;
	v13 =	vadd.s32 $0x18C0, v1;
	v14 =	vadd.s32 $0x1AD0, v1  }
0x9: {  	s2 =	sand.u32 $0x1, s2;
	s5 =	sshll.u32 s4, $0x1;
	s4 =	simm.s32 $0x0;
	v15 =	vadd.s32 $0x1CE0, v1;
	v16 =	vadd.s32 $0x1EF0, v1;
	v17 =	vadd.s32 $0x2100, v1  }
.Ltmp0:
0xa: {  	s8 =	sadd.s32 $0x8000, s1;
	s9 =	sadd.s32 $0xC000, s1;
	v18 =	vadd.s32 $0x2310, v1;
	v19 =	vadd.s32 $0x2520, v1;
	v20 =	vadd.s32 $0x2730, v1;
	(pc) =	sbr.rel .LBB2_1-.Ltmp0, $4  }
0xb: {  	s5 =	sor.u32 s2, s5;
	[smem:$0x7FF] =	sst s4;
	s2 =	ssub.s32 $0x2, s2;
	v21 =	vadd.s32 $0x2940, v1;
	v22 =	vadd.s32 $0x2B50, v1;
	v23 =	vadd.s32 $0x2D60, v1  }
0xc: {  	s6 =	sshll.u32 s5, $0x9;
	_ =	strace $0x80000047;
	s10 =	sshrl.u32 s2, $0x1;
	v24 =	vadd.s32 $0x2F70, v1;
	v25 =	vadd.s32 $0x3180, v1;
	v26 =	vadd.s32 $0x3390, v1  }
0xd: {  	v27 =	vadd.s32 $0x35A0, v1;
	v28 =	vadd.s32 $0x37B0, v1;
	v29 =	vadd.s32 $0x39C0, v1;
	p0 =	sne.s32 s5, $0x1F;
	s6 =	sadd.s32 s1, s6;
	s31 =	ssub.s32 s2, s10  }
0xe: {  	v30 =	vadd.s32 $0x3BD0, v1;
	v31 =	vadd.s32 $0x3DE0, v1;
	v32 =	vadd.s32 $0x3FF0, v1;
	s10 =	sadd.s32 $0x3D0800, s3;
	s7 =	sadd.s32 $0x4000, s6;
	s12 =	smax.u32 s31, $0x1  }
.LBB2_13:
0xf: {  	_ =	swait.ge [sflag:s20], $0x4000  }
0x10: {  	[sflag:s20] =	ssyncset.done $0x0  }
0x11: {  	[sflag:s20] =	ssyncadd.s32 $0xFFFFC000  }
0x12: {  	_ =	swait.ge [sflag:s21], $0x4000  }
0x13: {  	s1 =	simm.s32 @!p0 $0x0;
	[sflag:s21] =	ssyncset.done $0x0  }
0x14: {  	s2 =	simm.s32 @!p0 $0x8000;
	s23 =	simm.s32 @!p0 $0x5;
	[sflag:s21] =	ssyncadd.s32 $0xFFFFC000  }
0x15: {  	[tilespmem:s2], [sflag:$0x5] =	stream.linear.gather @!p0 [hbm4b:s0+s1], $0x800, $0x38;
	[tilespmem:$0x14200] =	vst v63  }
0x16: {  	s22 =	sadd.s32 $0x1, s22;
	_ =	swait.ge @!p0 [sflag:s23], $0x800  }
0x17: {  	p1 =	sne.s32 s22, s12;
	[sflag:s23] =	ssyncset.done @!p0 $0x0  }
.Ltmp1:
0x18: {  	[sflag:s23] =	ssyncadd.s32 @!p0 $0xFFFFF800;
	(pc) =	sbr.rel @!p1 .LBB2_14-.Ltmp1, $4  }
0x19: {  	[hbm4b:s10+s1] =	stream.linear.scatter @!p0 [tilespmem:s2], [sflag:$0x5], $0x800, $0x38;
	[tilespmem:$0x14200] =	vst v63  }
0x1a: {  	_ =	swait.ge @!p0 [sflag:s23], $0x800  }
0x1b: {  	[sflag:s23] =	ssyncset.done @!p0 $0x0  }
0x1c: {  	[sflag:s23] =	ssyncadd.s32 @!p0 $0xFFFFF800  }
.LBB2_1:
.Ltmp2:
0x1d: {  	(pc) =	sbr.rel .LBB2_2-.Ltmp2, $4  }
0x1e: {  	_ = 	snop  }
0x1f: {  	[tilespmem:s4], [sflag:$0x1] =	stream.strided.gather [hbm4b:s6+s11], $0x4000, s13, s11, $0x38;
	[tilespmem:$0x14200] =	vst v63  }
0x20: {  	s23 =	simm.s32 $0x0  }
0x21: {  	[tilespmem:s14], [sflag:$0x2] =	stream.strided.gather [hbm4b:s7+s11], $0x4000, s13, s11, $0x38;
	[tilespmem:$0x14200] =	vst v63  }
.LBB2_12:
0x22: {  	s23 =	sadd.s32 $0x1, s23  }
0x23: {  	p1 =	sne.s32 s23, $0x1F  }
.Ltmp3:
0x24: {  	_ = 	snop;
	(pc) =	sbr.rel @!p1 .LBB2_13-.Ltmp3, $1  }
0x25: {  	_ =	sdelay $0x3  }
.LBB2_2:
0x26: {  	_ =	swait.ge [sflag:s15], $0x4000  }
0x27: {  	p1 =	seq.s32 s23, $0x0;
	[sflag:s15] =	ssyncset.done $0x0  }
0x28: {  	s1 =	simm.s32 @!p1 $0x3;
	[sflag:s15] =	ssyncadd.s32 $0xFFFFC000  }
0x29: {  	s25 =	simm.s32 $0x0;
	_ =	swait.ge @!p1 [sflag:s1], $0x4000  }
0x2a: {  	s2 =	sand.u32 $0x3000, s25;
	s24 =	sand.u32 $0x380, s25;
	[sflag:s1] =	ssyncset.done @!p1 $0x0  }
0x2b: {  	s2 =	sor.u32 s24, s2;
	[sflag:s1] =	ssyncadd.s32 @!p1 $0xFFFFC000  }
0x2c: {  	v40 =	vadd.s32 s25, v1;
	v41 =	vld [tilespmem:s2+$0x0];
	_ =	sdelay $0x4  }
0x2d: {  	[tilespmem:v40+s16+$0x0] =	vst.idx.msk $0xffff, v41  }
0x2e: {  	v54 =	vadd.s32 s25, v2;
	v41 =	vld [tilespmem:s2+$0x10];
	_ =	sdelay $0x4  }
0x2f: {  	[tilespmem:v54+s16+$0x0] =	vst.idx.msk $0xffff, v41  }
0x30: {  	v55 =	vadd.s32 s25, v3;
	v41 =	vld [tilespmem:s2+$0x20];
	_ =	sdelay $0x4  }
0x31: {  	[tilespmem:v55+s16+$0x0] =	vst.idx.msk $0xffff, v41  }
0x32: {  	v56 =	vadd.s32 s25, v4;
	v41 =	vld [tilespmem:s2+$0x30];
	_ =	sdelay $0x4  }
0x33: {  	[tilespmem:v56+s16+$0x0] =	vst.idx.msk $0xffff, v41  }
0x34: {  	v57 =	vadd.s32 s25, v5;
	v41 =	vld [tilespmem:s2+$0x40];
	_ =	sdelay $0x4  }
0x35: {  	[tilespmem:v57+s16+$0x0] =	vst.idx.msk $0xffff, v41  }
0x36: {  	v58 =	vadd.s32 s25, v6;
	v41 =	vld [tilespmem:s2+$0x50];
	_ =	sdelay $0x4  }
0x37: {  	[tilespmem:v58+s16+$0x0] =	vst.idx.msk $0xffff, v41  }
0x38: {  	v59 =	vadd.s32 s25, v7;
	v41 =	vld [tilespmem:s2+$0x60];
	_ =	sdelay $0x4  }
0x39: {  	[tilespmem:v59+s16+$0x0] =	vst.idx.msk $0xffff, v41  }
0x3a: {  	v60 =	vadd.s32 s25, v8;
	v41 =	vld [tilespmem:s2+$0x70];
	_ =	sdelay $0x4  }
0x3b: {  	[tilespmem:v60+s16+$0x0] =	vst.idx.msk $0xffff, v41  }
0x3c: {  	v61 =	vadd.s32 s25, v9;
	v41 =	vld [tilespmem:s2+$0x400];
	_ =	sdelay $0x4  }
0x3d: {  	[tilespmem:v61+s16+$0x0] =	vst.idx.msk $0xffff, v41  }
0x3e: {  	v62 =	vadd.s32 s25, v10;
	v41 =	vld [tilespmem:s2+$0x410];
	_ =	sdelay $0x4  }
0x3f: {  	[tilespmem:v62+s16+$0x0] =	vst.idx.msk $0xffff, v41  }
0x40: {  	v63 =	vadd.s32 s25, v11;
	v41 =	vld [tilespmem:s2+$0x420];
	_ =	sdelay $0x4  }
0x41: {  	[tilespmem:v63+s16+$0x0] =	vst.idx.msk $0xffff, v41  }
0x42: {  	v44 =	vadd.s32 s25, v12;
	v41 =	vld [tilespmem:s2+$0x430];
	_ =	sdelay $0x4  }
0x43: {  	[tilespmem:v44+s16+$0x0] =	vst.idx.msk $0xffff, v41  }
0x44: {  	v45 =	vadd.s32 s25, v13;
	v41 =	vld [tilespmem:s2+$0x440];
	_ =	sdelay $0x4  }
0x45: {  	[tilespmem:v45+s16+$0x0] =	vst.idx.msk $0xffff, v41  }
0x46: {  	v46 =	vadd.s32 s25, v14;
	v41 =	vld [tilespmem:s2+$0x450];
	_ =	sdelay $0x4  }
0x47: {  	[tilespmem:v46+s16+$0x0] =	vst.idx.msk $0xffff, v41  }
0x48: {  	v47 =	vadd.s32 s25, v15;
	v41 =	vld [tilespmem:s2+$0x460];
	_ =	sdelay $0x4  }
0x49: {  	[tilespmem:v47+s16+$0x0] =	vst.idx.msk $0xffff, v41  }
0x4a: {  	v48 =	vadd.s32 s25, v16;
	v41 =	vld [tilespmem:s2+$0x470];
	_ =	sdelay $0x4  }
0x4b: {  	[tilespmem:v48+s16+$0x0] =	vst.idx.msk $0xffff, v41  }
0x4c: {  	v49 =	vadd.s32 s25, v17;
	v41 =	vld [tilespmem:s2+$0x800];
	_ =	sdelay $0x4  }
0x4d: {  	[tilespmem:v49+s16+$0x0] =	vst.idx.msk $0xffff, v41  }
0x4e: {  	v50 =	vadd.s32 s25, v18;
	v41 =	vld [tilespmem:s2+$0x810];
	_ =	sdelay $0x4  }
0x4f: {  	[tilespmem:v50+s16+$0x0] =	vst.idx.msk $0xffff, v41  }
0x50: {  	v51 =	vadd.s32 s25, v19;
	v41 =	vld [tilespmem:s2+$0x820];
	_ =	sdelay $0x4  }
0x51: {  	[tilespmem:v51+s16+$0x0] =	vst.idx.msk $0xffff, v41  }
0x52: {  	v52 =	vadd.s32 s25, v20;
	v41 =	vld [tilespmem:s2+$0x830];
	_ =	sdelay $0x4  }
0x53: {  	[tilespmem:v52+s16+$0x0] =	vst.idx.msk $0xffff, v41  }
0x54: {  	v53 =	vadd.s32 s25, v21;
	v41 =	vld [tilespmem:s2+$0x840];
	_ =	sdelay $0x4  }
0x55: {  	[tilespmem:v53+s16+$0x0] =	vst.idx.msk $0xffff, v41  }
0x56: {  	v54 =	vadd.s32 s25, v22;
	v41 =	vld [tilespmem:s2+$0x850];
	_ =	sdelay $0x4  }
0x57: {  	[tilespmem:v54+s16+$0x0] =	vst.idx.msk $0xffff, v41  }
0x58: {  	v55 =	vadd.s32 s25, v23;
	v41 =	vld [tilespmem:s2+$0x860];
	_ =	sdelay $0x4  }
0x59: {  	[tilespmem:v55+s16+$0x0] =	vst.idx.msk $0xffff, v41  }
0x5a: {  	v56 =	vadd.s32 s25, v24;
	v41 =	vld [tilespmem:s2+$0x870];
	_ =	sdelay $0x4  }
0x5b: {  	[tilespmem:v56+s16+$0x0] =	vst.idx.msk $0xffff, v41  }
0x5c: {  	v57 =	vadd.s32 s25, v25;
	v41 =	vld [tilespmem:s2+$0xC00];
	_ =	sdelay $0x4  }
0x5d: {  	[tilespmem:v57+s16+$0x0] =	vst.idx.msk $0xffff, v41  }
0x5e: {  	v58 =	vadd.s32 s25, v26;
	v41 =	vld [tilespmem:s2+$0xC10];
	_ =	sdelay $0x4  }
0x5f: {  	[tilespmem:v58+s16+$0x0] =	vst.idx.msk $0xffff, v41  }
0x60: {  	v59 =	vadd.s32 s25, v27;
	v41 =	vld [tilespmem:s2+$0xC20];
	_ =	sdelay $0x4  }
0x61: {  	[tilespmem:v59+s16+$0x0] =	vst.idx.msk $0xffff, v41  }
0x62: {  	v60 =	vadd.s32 s25, v28;
	v41 =	vld [tilespmem:s2+$0xC30];
	_ =	sdelay $0x4  }
0x63: {  	[tilespmem:v60+s16+$0x0] =	vst.idx.msk $0xffff, v41  }
0x64: {  	v61 =	vadd.s32 s25, v29;
	v41 =	vld [tilespmem:s2+$0xC40];
	_ =	sdelay $0x4  }
0x65: {  	[tilespmem:v61+s16+$0x0] =	vst.idx.msk $0xffff, v41  }
0x66: {  	v62 =	vadd.s32 s25, v30;
	v41 =	vld [tilespmem:s2+$0xC50];
	_ =	sdelay $0x4  }
0x67: {  	[tilespmem:v62+s16+$0x0] =	vst.idx.msk $0xffff, v41  }
0x68: {  	v63 =	vadd.s32 s25, v31;
	v41 =	vld [tilespmem:s2+$0xC60];
	_ =	sdelay $0x4  }
0x69: {  	[tilespmem:v63+s16+$0x0] =	vst.idx.msk $0xffff, v41  }
0x6a: {  	v40 =	vadd.s32 s25, v32;
	v41 =	vld [tilespmem:s2+$0xC70];
	_ =	sdelay $0x1  }
0x6b: {  	s26 =	sshll.u32 s23, $0x6;
	s28 =	simm.s32 $0x80  }
0x6c: {  	s29 =	simm.s32 $0x200;
	s30 =	simm.s32 $0x2;
	s31 =	sand.u32 $0x380, s28  }
0x6d: {  	s24 =	sor.u32 s5, s26;
	s26 =	simm.s32 $0x1;
	s2 =	sand.u32 $0x3000, s29  }
.LBB2_3:
0x6e: {  	p2 =	sne.s32 s30, $0x1F;
	s31 =	sor.u32 s31, s2;
	[tilespmem:v40+s16+$0x0] =	vst.idx.msk $0xffff, v41  }
0x6f: {  	v40 =	vadd.s32 s26, v1;
	v41 =	vld [tilespmem:s31+$0x0];
	_ =	sdelay $0x4  }
0x70: {  	[tilespmem:v40+s16+$0x0] =	vst.idx.msk $0xffff, v41  }
0x71: {  	v40 =	vadd.s32 s26, v2;
	v41 =	vld [tilespmem:s31+$0x10];
	_ =	sdelay $0x4  }
0x72: {  	[tilespmem:v40+s16+$0x0] =	vst.idx.msk $0xffff, v41  }
0x73: {  	v40 =	vadd.s32 s26, v3;
	v41 =	vld [tilespmem:s31+$0x20];
	_ =	sdelay $0x4  }
0x74: {  	[tilespmem:v40+s16+$0x0] =	vst.idx.msk $0xffff, v41  }
0x75: {  	v40 =	vadd.s32 s26, v4;
	v41 =	vld [tilespmem:s31+$0x30];
	_ =	sdelay $0x4  }
0x76: {  	[tilespmem:v40+s16+$0x0] =	vst.idx.msk $0xffff, v41  }
0x77: {  	v40 =	vadd.s32 s26, v5;
	v41 =	vld [tilespmem:s31+$0x40];
	_ =	sdelay $0x4  }
0x78: {  	[tilespmem:v40+s16+$0x0] =	vst.idx.msk $0xffff, v41  }
0x79: {  	v40 =	vadd.s32 s26, v6;
	v41 =	vld [tilespmem:s31+$0x50];
	_ =	sdelay $0x4  }
0x7a: {  	[tilespmem:v40+s16+$0x0] =	vst.idx.msk $0xffff, v41  }
0x7b: {  	v40 =	vadd.s32 s26, v7;
	v41 =	vld [tilespmem:s31+$0x60];
	_ =	sdelay $0x4  }
0x7c: {  	[tilespmem:v40+s16+$0x0] =	vst.idx.msk $0xffff, v41  }
0x7d: {  	v40 =	vadd.s32 s26, v8;
	v41 =	vld [tilespmem:s31+$0x70];
	_ =	sdelay $0x4  }
0x7e: {  	[tilespmem:v40+s16+$0x0] =	vst.idx.msk $0xffff, v41  }
0x7f: {  	v40 =	vadd.s32 s26, v9;
	v41 =	vld [tilespmem:s31+$0x400];
	_ =	sdelay $0x4  }
0x80: {  	[tilespmem:v40+s16+$0x0] =	vst.idx.msk $0xffff, v41  }
0x81: {  	v40 =	vadd.s32 s26, v10;
	v41 =	vld [tilespmem:s31+$0x410];
	_ =	sdelay $0x4  }
0x82: {  	[tilespmem:v40+s16+$0x0] =	vst.idx.msk $0xffff, v41  }
0x83: {  	v40 =	vadd.s32 s26, v11;
	v41 =	vld [tilespmem:s31+$0x420];
	_ =	sdelay $0x4  }
0x84: {  	[tilespmem:v40+s16+$0x0] =	vst.idx.msk $0xffff, v41  }
0x85: {  	v40 =	vadd.s32 s26, v12;
	v41 =	vld [tilespmem:s31+$0x430];
	_ =	sdelay $0x4  }
0x86: {  	[tilespmem:v40+s16+$0x0] =	vst.idx.msk $0xffff, v41  }
0x87: {  	v40 =	vadd.s32 s26, v13;
	v41 =	vld [tilespmem:s31+$0x440];
	_ =	sdelay $0x4  }
0x88: {  	[tilespmem:v40+s16+$0x0] =	vst.idx.msk $0xffff, v41  }
0x89: {  	v40 =	vadd.s32 s26, v14;
	v41 =	vld [tilespmem:s31+$0x450];
	_ =	sdelay $0x4  }
0x8a: {  	[tilespmem:v40+s16+$0x0] =	vst.idx.msk $0xffff, v41  }
0x8b: {  	v40 =	vadd.s32 s26, v15;
	v41 =	vld [tilespmem:s31+$0x460];
	_ =	sdelay $0x4  }
0x8c: {  	[tilespmem:v40+s16+$0x0] =	vst.idx.msk $0xffff, v41  }
0x8d: {  	v40 =	vadd.s32 s26, v16;
	v41 =	vld [tilespmem:s31+$0x470];
	_ =	sdelay $0x4  }
0x8e: {  	[tilespmem:v40+s16+$0x0] =	vst.idx.msk $0xffff, v41  }
0x8f: {  	v40 =	vadd.s32 s26, v17;
	v41 =	vld [tilespmem:s31+$0x800];
	_ =	sdelay $0x4  }
0x90: {  	[tilespmem:v40+s16+$0x0] =	vst.idx.msk $0xffff, v41  }
0x91: {  	v40 =	vadd.s32 s26, v18;
	v41 =	vld [tilespmem:s31+$0x810];
	_ =	sdelay $0x4  }
0x92: {  	[tilespmem:v40+s16+$0x0] =	vst.idx.msk $0xffff, v41  }
0x93: {  	v40 =	vadd.s32 s26, v19;
	v41 =	vld [tilespmem:s31+$0x820];
	_ =	sdelay $0x4  }
0x94: {  	[tilespmem:v40+s16+$0x0] =	vst.idx.msk $0xffff, v41  }
0x95: {  	v40 =	vadd.s32 s26, v20;
	v41 =	vld [tilespmem:s31+$0x830];
	_ =	sdelay $0x4  }
0x96: {  	[tilespmem:v40+s16+$0x0] =	vst.idx.msk $0xffff, v41  }
0x97: {  	v40 =	vadd.s32 s26, v21;
	v41 =	vld [tilespmem:s31+$0x840];
	_ =	sdelay $0x4  }
0x98: {  	[tilespmem:v40+s16+$0x0] =	vst.idx.msk $0xffff, v41  }
0x99: {  	v40 =	vadd.s32 s26, v22;
	v41 =	vld [tilespmem:s31+$0x850];
	_ =	sdelay $0x4  }
0x9a: {  	[tilespmem:v40+s16+$0x0] =	vst.idx.msk $0xffff, v41  }
0x9b: {  	v40 =	vadd.s32 s26, v23;
	v41 =	vld [tilespmem:s31+$0x860];
	_ =	sdelay $0x4  }
0x9c: {  	[tilespmem:v40+s16+$0x0] =	vst.idx.msk $0xffff, v41  }
0x9d: {  	v40 =	vadd.s32 s26, v24;
	v41 =	vld [tilespmem:s31+$0x870];
	_ =	sdelay $0x4  }
0x9e: {  	[tilespmem:v40+s16+$0x0] =	vst.idx.msk $0xffff, v41  }
0x9f: {  	v40 =	vadd.s32 s26, v25;
	v41 =	vld [tilespmem:s31+$0xC00];
	_ =	sdelay $0x4  }
0xa0: {  	[tilespmem:v40+s16+$0x0] =	vst.idx.msk $0xffff, v41  }
0xa1: {  	v40 =	vadd.s32 s26, v26;
	v41 =	vld [tilespmem:s31+$0xC10];
	_ =	sdelay $0x4  }
0xa2: {  	[tilespmem:v40+s16+$0x0] =	vst.idx.msk $0xffff, v41  }
0xa3: {  	v40 =	vadd.s32 s26, v27;
	v41 =	vld [tilespmem:s31+$0xC20];
	_ =	sdelay $0x4  }
0xa4: {  	[tilespmem:v40+s16+$0x0] =	vst.idx.msk $0xffff, v41  }
0xa5: {  	v40 =	vadd.s32 s26, v28;
	v41 =	vld [tilespmem:s31+$0xC30];
	_ =	sdelay $0x4  }
0xa6: {  	[tilespmem:v40+s16+$0x0] =	vst.idx.msk $0xffff, v41  }
0xa7: {  	v40 =	vadd.s32 s26, v29;
	v41 =	vld [tilespmem:s31+$0xC40];
	_ =	sdelay $0x4  }
0xa8: {  	[tilespmem:v40+s16+$0x0] =	vst.idx.msk $0xffff, v41  }
0xa9: {  	v40 =	vadd.s32 s26, v30;
	v41 =	vld [tilespmem:s31+$0xC50];
	_ =	sdelay $0x4  }
0xaa: {  	[tilespmem:v40+s16+$0x0] =	vst.idx.msk $0xffff, v41  }
0xab: {  	v40 =	vadd.s32 s26, v31;
	v41 =	vld [tilespmem:s31+$0xC60];
	_ =	sdelay $0x4  }
0xac: {  	[tilespmem:v40+s16+$0x0] =	vst.idx.msk $0xffff, v41  }
.Ltmp4:
0xad: {  	v40 =	vadd.s32 s26, v32;
	s26 =	smov.u32 s30;
	v41 =	vld [tilespmem:s31+$0xC70];
	(pc) =	sbr.rel @p2 .LBB2_3-.Ltmp4, $3  }
0xae: {  	_ =	sdelay $0x1  }
0xaf: {  	s28 =	sadd.s32 $0x80, s28;
	s29 =	sadd.s32 $0x200, s29  }
0xb0: {  	s2 =	sand.u32 $0x3000, s29;
	s30 =	sadd.s32 $0x1, s30;
	s31 =	sand.u32 $0x380, s28  }
0xb1: {  	_ =	sdelay $0x3  }
0xb2: {  	s2 =	sor.u32 s31, s2;
	[tilespmem:v40+s16+$0x0] =	vst.idx.msk $0xffff, v41  }
0xb3: {  	v45 =	vadd.s32 s26, v1;
	v41 =	vld [tilespmem:s2+$0x0];
	_ =	sdelay $0x4  }
0xb4: {  	[tilespmem:v45+s16+$0x0] =	vst.idx.msk $0xffff, v41  }
0xb5: {  	v46 =	vadd.s32 s26, v2;
	v41 =	vld [tilespmem:s2+$0x10];
	_ =	sdelay $0x4  }
0xb6: {  	[tilespmem:v46+s16+$0x0] =	vst.idx.msk $0xffff, v41  }
0xb7: {  	v47 =	vadd.s32 s26, v3;
	v41 =	vld [tilespmem:s2+$0x20];
	_ =	sdelay $0x4  }
0xb8: {  	[tilespmem:v47+s16+$0x0] =	vst.idx.msk $0xffff, v41  }
0xb9: {  	v48 =	vadd.s32 s26, v4;
	v41 =	vld [tilespmem:s2+$0x30];
	_ =	sdelay $0x4  }
0xba: {  	[tilespmem:v48+s16+$0x0] =	vst.idx.msk $0xffff, v41  }
0xbb: {  	v49 =	vadd.s32 s26, v5;
	v41 =	vld [tilespmem:s2+$0x40];
	_ =	sdelay $0x4  }
0xbc: {  	[tilespmem:v49+s16+$0x0] =	vst.idx.msk $0xffff, v41  }
0xbd: {  	v50 =	vadd.s32 s26, v6;
	v41 =	vld [tilespmem:s2+$0x50];
	_ =	sdelay $0x4  }
0xbe: {  	[tilespmem:v50+s16+$0x0] =	vst.idx.msk $0xffff, v41  }
0xbf: {  	v51 =	vadd.s32 s26, v7;
	v41 =	vld [tilespmem:s2+$0x60];
	_ =	sdelay $0x4  }
0xc0: {  	[tilespmem:v51+s16+$0x0] =	vst.idx.msk $0xffff, v41  }
0xc1: {  	v52 =	vadd.s32 s26, v8;
	v41 =	vld [tilespmem:s2+$0x70];
	_ =	sdelay $0x4  }
0xc2: {  	[tilespmem:v52+s16+$0x0] =	vst.idx.msk $0xffff, v41  }
0xc3: {  	v53 =	vadd.s32 s26, v9;
	v41 =	vld [tilespmem:s2+$0x400];
	_ =	sdelay $0x4  }
0xc4: {  	[tilespmem:v53+s16+$0x0] =	vst.idx.msk $0xffff, v41  }
0xc5: {  	v54 =	vadd.s32 s26, v10;
	v41 =	vld [tilespmem:s2+$0x410];
	_ =	sdelay $0x4  }
0xc6: {  	[tilespmem:v54+s16+$0x0] =	vst.idx.msk $0xffff, v41  }
0xc7: {  	v55 =	vadd.s32 s26, v11;
	v41 =	vld [tilespmem:s2+$0x420];
	_ =	sdelay $0x4  }
0xc8: {  	[tilespmem:v55+s16+$0x0] =	vst.idx.msk $0xffff, v41  }
0xc9: {  	v56 =	vadd.s32 s26, v12;
	v41 =	vld [tilespmem:s2+$0x430];
	_ =	sdelay $0x4  }
0xca: {  	[tilespmem:v56+s16+$0x0] =	vst.idx.msk $0xffff, v41  }
0xcb: {  	v57 =	vadd.s32 s26, v13;
	v41 =	vld [tilespmem:s2+$0x440];
	_ =	sdelay $0x4  }
0xcc: {  	[tilespmem:v57+s16+$0x0] =	vst.idx.msk $0xffff, v41  }
0xcd: {  	v58 =	vadd.s32 s26, v14;
	v41 =	vld [tilespmem:s2+$0x450];
	_ =	sdelay $0x4  }
0xce: {  	[tilespmem:v58+s16+$0x0] =	vst.idx.msk $0xffff, v41  }
0xcf: {  	v59 =	vadd.s32 s26, v15;
	v41 =	vld [tilespmem:s2+$0x460];
	_ =	sdelay $0x4  }
0xd0: {  	[tilespmem:v59+s16+$0x0] =	vst.idx.msk $0xffff, v41  }
0xd1: {  	v60 =	vadd.s32 s26, v16;
	v41 =	vld [tilespmem:s2+$0x470];
	_ =	sdelay $0x4  }
0xd2: {  	[tilespmem:v60+s16+$0x0] =	vst.idx.msk $0xffff, v41  }
0xd3: {  	v61 =	vadd.s32 s26, v17;
	v41 =	vld [tilespmem:s2+$0x800];
	_ =	sdelay $0x4  }
0xd4: {  	[tilespmem:v61+s16+$0x0] =	vst.idx.msk $0xffff, v41  }
0xd5: {  	v62 =	vadd.s32 s26, v18;
	v41 =	vld [tilespmem:s2+$0x810];
	_ =	sdelay $0x4  }
0xd6: {  	[tilespmem:v62+s16+$0x0] =	vst.idx.msk $0xffff, v41  }
0xd7: {  	v63 =	vadd.s32 s26, v19;
	v41 =	vld [tilespmem:s2+$0x820];
	_ =	sdelay $0x4  }
0xd8: {  	[tilespmem:v63+s16+$0x0] =	vst.idx.msk $0xffff, v41  }
0xd9: {  	v44 =	vadd.s32 s26, v20;
	v41 =	vld [tilespmem:s2+$0x830];
	_ =	sdelay $0x4  }
0xda: {  	[tilespmem:v44+s16+$0x0] =	vst.idx.msk $0xffff, v41  }
0xdb: {  	v45 =	vadd.s32 s26, v21;
	v41 =	vld [tilespmem:s2+$0x840];
	_ =	sdelay $0x4  }
0xdc: {  	[tilespmem:v45+s16+$0x0] =	vst.idx.msk $0xffff, v41  }
0xdd: {  	v46 =	vadd.s32 s26, v22;
	v41 =	vld [tilespmem:s2+$0x850];
	_ =	sdelay $0x4  }
0xde: {  	[tilespmem:v46+s16+$0x0] =	vst.idx.msk $0xffff, v41  }
0xdf: {  	v47 =	vadd.s32 s26, v23;
	v41 =	vld [tilespmem:s2+$0x860];
	_ =	sdelay $0x4  }
0xe0: {  	[tilespmem:v47+s16+$0x0] =	vst.idx.msk $0xffff, v41  }
0xe1: {  	v48 =	vadd.s32 s26, v24;
	v41 =	vld [tilespmem:s2+$0x870];
	_ =	sdelay $0x4  }
0xe2: {  	[tilespmem:v48+s16+$0x0] =	vst.idx.msk $0xffff, v41  }
0xe3: {  	v49 =	vadd.s32 s26, v25;
	v41 =	vld [tilespmem:s2+$0xC00];
	_ =	sdelay $0x4  }
0xe4: {  	[tilespmem:v49+s16+$0x0] =	vst.idx.msk $0xffff, v41  }
0xe5: {  	v50 =	vadd.s32 s26, v26;
	v41 =	vld [tilespmem:s2+$0xC10];
	_ =	sdelay $0x4  }
0xe6: {  	[tilespmem:v50+s16+$0x0] =	vst.idx.msk $0xffff, v41  }
0xe7: {  	v51 =	vadd.s32 s26, v27;
	v41 =	vld [tilespmem:s2+$0xC20];
	_ =	sdelay $0x4  }
0xe8: {  	[tilespmem:v51+s16+$0x0] =	vst.idx.msk $0xffff, v41  }
0xe9: {  	v52 =	vadd.s32 s26, v28;
	v41 =	vld [tilespmem:s2+$0xC30];
	_ =	sdelay $0x4  }
0xea: {  	[tilespmem:v52+s16+$0x0] =	vst.idx.msk $0xffff, v41  }
0xeb: {  	v53 =	vadd.s32 s26, v29;
	v41 =	vld [tilespmem:s2+$0xC40];
	_ =	sdelay $0x4  }
0xec: {  	[tilespmem:v53+s16+$0x0] =	vst.idx.msk $0xffff, v41  }
0xed: {  	v54 =	vadd.s32 s26, v30;
	v41 =	vld [tilespmem:s2+$0xC50];
	_ =	sdelay $0x4  }
0xee: {  	[tilespmem:v54+s16+$0x0] =	vst.idx.msk $0xffff, v41  }
0xef: {  	v55 =	vadd.s32 s26, v31;
	v41 =	vld [tilespmem:s2+$0xC60];
	_ =	sdelay $0x4  }
0xf0: {  	[tilespmem:v55+s16+$0x0] =	vst.idx.msk $0xffff, v41  }
0xf1: {  	v56 =	vadd.s32 s26, v32;
	v41 =	vld [tilespmem:s2+$0xC70]  }
0xf2: {  	v42 =	vadd.s32 s25, v0;
	_ =	sdelay $0x3  }
0xf3: {  	[tilespmem:v56+s16+$0x0] =	vst.idx.msk $0xffff, v41  }
0xf4: {  	v40 =	vld.idx.msk [tilespmem:v42+s16+$0x0], $0xffff  }
0xf5: {  	v57 =	vadd.s32 s25, v33;
	_ =	sdelay $0x2  }
0xf6: {  	s2 =	simm.s32 $0x8040  }
0xf7: {  	[tilespmem:s2+$0xFFFFFFC0] =	vst v40  }
0xf8: {  	v40 =	vld.idx.msk [tilespmem:v57+s16+$0x0], $0xffff  }
0xf9: {  	v58 =	vadd.s32 s25, v34;
	_ =	sdelay $0x3  }
0xfa: {  	[tilespmem:s2+$0xFFFFFFD0] =	vst v40  }
0xfb: {  	v40 =	vld.idx.msk [tilespmem:v58+s16+$0x0], $0xffff  }
0xfc: {  	v59 =	vadd.s32 s25, v35;
	_ =	sdelay $0x3  }
0xfd: {  	[tilespmem:s2+$0xFFFFFFE0] =	vst v40  }
0xfe: {  	v40 =	vld.idx.msk [tilespmem:v59+s16+$0x0], $0xffff  }
0xff: {  	v60 =	vadd.s32 s25, v36;
	_ =	sdelay $0x3  }
0x100: {  	[tilespmem:s2+$0xFFFFFFF0] =	vst v40  }
0x101: {  	v40 =	vld.idx.msk [tilespmem:v60+s16+$0x0], $0xffff  }
0x102: {  	v61 =	vadd.s32 s25, v37;
	_ =	sdelay $0x3  }
0x103: {  	[tilespmem:s2+$0x0] =	vst v40  }
0x104: {  	v40 =	vld.idx.msk [tilespmem:v61+s16+$0x0], $0xffff  }
0x105: {  	v62 =	vadd.s32 s25, v38;
	_ =	sdelay $0x3  }
0x106: {  	[tilespmem:s2+$0x10] =	vst v40  }
0x107: {  	v40 =	vld.idx.msk [tilespmem:v62+s16+$0x0], $0xffff  }
0x108: {  	v63 =	vadd.s32 s25, v39;
	_ =	sdelay $0x3  }
0x109: {  	[tilespmem:s2+$0x20] =	vst v40  }
0x10a: {  	s25 =	simm.s32 $0x84;
	v40 =	vld.idx.msk [tilespmem:v63+s16+$0x0], $0xffff  }
0x10b: {  	s26 =	simm.s32 $0x108;
	v41 =	vadd.s32 s25, v0  }
.LBB2_5:
0x10c: {  	p2 =	sne.s32 s26, $0x417C;
	_ =	sdelay $0x2  }
0x10d: {  	[tilespmem:s2+$0x30] =	vst v40  }
0x10e: {  	v40 =	vld.idx.msk [tilespmem:v41+s16+$0x0], $0xffff;
	_ =	sdelay $0x1  }
0x10f: {  	v41 =	vadd.s32 s25, v33;
	_ =	sdelay $0x2  }
0x110: {  	s2 =	sadd.s32 $0x80, s2  }
0x111: {  	[tilespmem:s2+$0xFFFFFFC0] =	vst v40  }
0x112: {  	v40 =	vld.idx.msk [tilespmem:v41+s16+$0x0], $0xffff;
	_ =	sdelay $0x1  }
0x113: {  	v41 =	vadd.s32 s25, v34;
	_ =	sdelay $0x3  }
0x114: {  	[tilespmem:s2+$0xFFFFFFD0] =	vst v40  }
0x115: {  	v40 =	vld.idx.msk [tilespmem:v41+s16+$0x0], $0xffff;
	_ =	sdelay $0x1  }
0x116: {  	v41 =	vadd.s32 s25, v35;
	_ =	sdelay $0x3  }
0x117: {  	[tilespmem:s2+$0xFFFFFFE0] =	vst v40  }
0x118: {  	v40 =	vld.idx.msk [tilespmem:v41+s16+$0x0], $0xffff;
	_ =	sdelay $0x1  }
0x119: {  	v41 =	vadd.s32 s25, v36;
	_ =	sdelay $0x3  }
0x11a: {  	[tilespmem:s2+$0xFFFFFFF0] =	vst v40  }
0x11b: {  	v40 =	vld.idx.msk [tilespmem:v41+s16+$0x0], $0xffff;
	_ =	sdelay $0x1  }
0x11c: {  	v41 =	vadd.s32 s25, v37;
	_ =	sdelay $0x3  }
0x11d: {  	[tilespmem:s2+$0x0] =	vst v40  }
0x11e: {  	v40 =	vld.idx.msk [tilespmem:v41+s16+$0x0], $0xffff;
	_ =	sdelay $0x1  }
0x11f: {  	v41 =	vadd.s32 s25, v38;
	_ =	sdelay $0x3  }
0x120: {  	[tilespmem:s2+$0x10] =	vst v40  }
0x121: {  	v40 =	vld.idx.msk [tilespmem:v41+s16+$0x0], $0xffff;
	_ =	sdelay $0x1  }
0x122: {  	v41 =	vadd.s32 s25, v39;
	s25 =	smov.u32 s26;
	_ =	sdelay $0x2  }
.Ltmp5:
0x123: {  	(pc) =	sbr.rel @p2 .LBB2_5-.Ltmp5, $3  }
0x124: {  	[tilespmem:s2+$0x20] =	vst v40  }
0x125: {  	v40 =	vld.idx.msk [tilespmem:v41+s16+$0x0], $0xffff;
	_ =	sdelay $0x1  }
0x126: {  	s26 =	sadd.s32 $0x84, s26;
	v41 =	vadd.s32 s25, v0  }
0x127: {  	_ =	sdelay $0x2  }
0x128: {  	[tilespmem:s2+$0x30] =	vst v40  }
0x129: {  	v40 =	vld.idx.msk [tilespmem:v41+s16+$0x0], $0xffff  }
0x12a: {  	v57 =	vadd.s32 s25, v33;
	_ =	sdelay $0x2  }
0x12b: {  	s1 =	sadd.s32 $0x80, s2  }
0x12c: {  	[tilespmem:s1+$0xFFFFFFC0] =	vst v40  }
0x12d: {  	v40 =	vld.idx.msk [tilespmem:v57+s16+$0x0], $0xffff  }
0x12e: {  	v58 =	vadd.s32 s25, v34;
	_ =	sdelay $0x3  }
0x12f: {  	[tilespmem:s1+$0xFFFFFFD0] =	vst v40  }
0x130: {  	v40 =	vld.idx.msk [tilespmem:v58+s16+$0x0], $0xffff  }
0x131: {  	v59 =	vadd.s32 s25, v35;
	_ =	sdelay $0x3  }
0x132: {  	[tilespmem:s1+$0xFFFFFFE0] =	vst v40  }
0x133: {  	v40 =	vld.idx.msk [tilespmem:v59+s16+$0x0], $0xffff  }
0x134: {  	v60 =	vadd.s32 s25, v36;
	_ =	sdelay $0x3  }
0x135: {  	[tilespmem:s1+$0xFFFFFFF0] =	vst v40  }
0x136: {  	v40 =	vld.idx.msk [tilespmem:v60+s16+$0x0], $0xffff  }
0x137: {  	v61 =	vadd.s32 s25, v37;
	_ =	sdelay $0x3  }
0x138: {  	[tilespmem:s1+$0x0] =	vst v40  }
0x139: {  	v40 =	vld.idx.msk [tilespmem:v61+s16+$0x0], $0xffff  }
0x13a: {  	v62 =	vadd.s32 s25, v38;
	_ =	sdelay $0x3  }
0x13b: {  	[tilespmem:s1+$0x10] =	vst v40  }
0x13c: {  	v40 =	vld.idx.msk [tilespmem:v62+s16+$0x0], $0xffff  }
0x13d: {  	v63 =	vadd.s32 s25, v39;
	_ =	sdelay $0x3  }
0x13e: {  	[tilespmem:s1+$0x20] =	vst v40  }
0x13f: {  	v40 =	vld.idx.msk [tilespmem:v63+s16+$0x0], $0xffff;
	_ =	sdelay $0x3  }
0x140: {  	s30 =	sshll.u32 s24, $0xB;
	p2 =	seq.s32 s23, $0x1E  }
0x141: {  	s31 =	sadd.s32 s3, s30;
	s25 =	simm.s32 @!p2 $0x7A1400;
	[tilespmem:s1+$0x30] =	vst v40;
	s1 =	sshll.u32 @!p2 s24, $0x9  }
0x142: {  	[hbm4b:s31+s4] =	stream.linear.scatter [tilespmem:s17], [sflag:$0x3], $0x4000, $0x38;
	[tilespmem:$0x14200] =	vst v63  }
0x143: {  	s26 =	simm.s32 @!p2 $0x0;
	s2 =	simm.s32 @!p2 $0x1000;
	s1 =	sadd.s32 @!p2 s1, s8  }
0x144: {  	[tilespmem:s26], [sflag:$0x1] =	stream.strided.gather @!p2 [hbm4b:s1+s2], $0x4000, s25, s2, $0x38;
	[tilespmem:$0x14200] =	vst v63  }
0x145: {  	s25 =	sor.u32 $0x20, s24  }
0x146: {  	p2 =	sgt.u32 s25, $0x7A0  }
.Ltmp6:
0x147: {  	_ = 	snop;
	(pc) =	sbr.rel @p2 .LBB2_12-.Ltmp6, $1  }
0x148: {  	_ =	sdelay $0x3  }
0x149: {  	_ =	swait.ge [sflag:s18], $0x4000  }
0x14a: {  	[sflag:s18] =	ssyncset.done $0x0  }
0x14b: {  	s1 =	simm.s32 @!p1 $0x4;
	[sflag:s18] =	ssyncadd.s32 $0xFFFFC000  }
0x14c: {  	s26 =	simm.s32 $0x0;
	_ =	swait.ge @!p1 [sflag:s1], $0x4000  }
0x14d: {  	s2 =	sand.u32 $0x3000, s26;
	s28 =	sand.u32 $0x380, s26;
	[sflag:s1] =	ssyncset.done @!p1 $0x0  }
0x14e: {  	s2 =	sor.u32 s28, s2;
	[sflag:s1] =	ssyncadd.s32 @!p1 $0xFFFFC000  }
0x14f: {  	v40 =	vadd.s32 s26, v1;
	v41 =	vld [tilespmem:s2+$0x4000];
	_ =	sdelay $0x4  }
0x150: {  	[tilespmem:v40+s16+$0x0] =	vst.idx.msk $0xffff, v41  }
0x151: {  	v54 =	vadd.s32 s26, v2;
	v41 =	vld [tilespmem:s2+$0x4010];
	_ =	sdelay $0x4  }
0x152: {  	[tilespmem:v54+s16+$0x0] =	vst.idx.msk $0xffff, v41  }
0x153: {  	v55 =	vadd.s32 s26, v3;
	v41 =	vld [tilespmem:s2+$0x4020];
	_ =	sdelay $0x4  }
0x154: {  	[tilespmem:v55+s16+$0x0] =	vst.idx.msk $0xffff, v41  }
0x155: {  	v56 =	vadd.s32 s26, v4;
	v41 =	vld [tilespmem:s2+$0x4030];
	_ =	sdelay $0x4  }
0x156: {  	[tilespmem:v56+s16+$0x0] =	vst.idx.msk $0xffff, v41  }
0x157: {  	v57 =	vadd.s32 s26, v5;
	v41 =	vld [tilespmem:s2+$0x4040];
	_ =	sdelay $0x4  }
0x158: {  	[tilespmem:v57+s16+$0x0] =	vst.idx.msk $0xffff, v41  }
0x159: {  	v58 =	vadd.s32 s26, v6;
	v41 =	vld [tilespmem:s2+$0x4050];
	_ =	sdelay $0x4  }
0x15a: {  	[tilespmem:v58+s16+$0x0] =	vst.idx.msk $0xffff, v41  }
0x15b: {  	v59 =	vadd.s32 s26, v7;
	v41 =	vld [tilespmem:s2+$0x4060];
	_ =	sdelay $0x4  }
0x15c: {  	[tilespmem:v59+s16+$0x0] =	vst.idx.msk $0xffff, v41  }
0x15d: {  	v60 =	vadd.s32 s26, v8;
	v41 =	vld [tilespmem:s2+$0x4070];
	_ =	sdelay $0x4  }
0x15e: {  	[tilespmem:v60+s16+$0x0] =	vst.idx.msk $0xffff, v41  }
0x15f: {  	v61 =	vadd.s32 s26, v9;
	v41 =	vld [tilespmem:s2+$0x4400];
	_ =	sdelay $0x4  }
0x160: {  	[tilespmem:v61+s16+$0x0] =	vst.idx.msk $0xffff, v41  }
0x161: {  	v62 =	vadd.s32 s26, v10;
	v41 =	vld [tilespmem:s2+$0x4410];
	_ =	sdelay $0x4  }
0x162: {  	[tilespmem:v62+s16+$0x0] =	vst.idx.msk $0xffff, v41  }
0x163: {  	v63 =	vadd.s32 s26, v11;
	v41 =	vld [tilespmem:s2+$0x4420];
	_ =	sdelay $0x4  }
0x164: {  	[tilespmem:v63+s16+$0x0] =	vst.idx.msk $0xffff, v41  }
0x165: {  	v44 =	vadd.s32 s26, v12;
	v41 =	vld [tilespmem:s2+$0x4430];
	_ =	sdelay $0x4  }
0x166: {  	[tilespmem:v44+s16+$0x0] =	vst.idx.msk $0xffff, v41  }
0x167: {  	v45 =	vadd.s32 s26, v13;
	v41 =	vld [tilespmem:s2+$0x4440];
	_ =	sdelay $0x4  }
0x168: {  	[tilespmem:v45+s16+$0x0] =	vst.idx.msk $0xffff, v41  }
0x169: {  	v46 =	vadd.s32 s26, v14;
	v41 =	vld [tilespmem:s2+$0x4450];
	_ =	sdelay $0x4  }
0x16a: {  	[tilespmem:v46+s16+$0x0] =	vst.idx.msk $0xffff, v41  }
0x16b: {  	v47 =	vadd.s32 s26, v15;
	v41 =	vld [tilespmem:s2+$0x4460];
	_ =	sdelay $0x4  }
0x16c: {  	[tilespmem:v47+s16+$0x0] =	vst.idx.msk $0xffff, v41  }
0x16d: {  	v48 =	vadd.s32 s26, v16;
	v41 =	vld [tilespmem:s2+$0x4470];
	_ =	sdelay $0x4  }
0x16e: {  	[tilespmem:v48+s16+$0x0] =	vst.idx.msk $0xffff, v41  }
0x16f: {  	v49 =	vadd.s32 s26, v17;
	v41 =	vld [tilespmem:s2+$0x4800];
	_ =	sdelay $0x4  }
0x170: {  	[tilespmem:v49+s16+$0x0] =	vst.idx.msk $0xffff, v41  }
0x171: {  	v50 =	vadd.s32 s26, v18;
	v41 =	vld [tilespmem:s2+$0x4810];
	_ =	sdelay $0x4  }
0x172: {  	[tilespmem:v50+s16+$0x0] =	vst.idx.msk $0xffff, v41  }
0x173: {  	v51 =	vadd.s32 s26, v19;
	v41 =	vld [tilespmem:s2+$0x4820];
	_ =	sdelay $0x4  }
0x174: {  	[tilespmem:v51+s16+$0x0] =	vst.idx.msk $0xffff, v41  }
0x175: {  	v52 =	vadd.s32 s26, v20;
	v41 =	vld [tilespmem:s2+$0x4830];
	_ =	sdelay $0x4  }
0x176: {  	[tilespmem:v52+s16+$0x0] =	vst.idx.msk $0xffff, v41  }
0x177: {  	v53 =	vadd.s32 s26, v21;
	v41 =	vld [tilespmem:s2+$0x4840];
	_ =	sdelay $0x4  }
0x178: {  	[tilespmem:v53+s16+$0x0] =	vst.idx.msk $0xffff, v41  }
0x179: {  	v54 =	vadd.s32 s26, v22;
	v41 =	vld [tilespmem:s2+$0x4850];
	_ =	sdelay $0x4  }
0x17a: {  	[tilespmem:v54+s16+$0x0] =	vst.idx.msk $0xffff, v41  }
0x17b: {  	v55 =	vadd.s32 s26, v23;
	v41 =	vld [tilespmem:s2+$0x4860];
	_ =	sdelay $0x4  }
0x17c: {  	[tilespmem:v55+s16+$0x0] =	vst.idx.msk $0xffff, v41  }
0x17d: {  	v56 =	vadd.s32 s26, v24;
	v41 =	vld [tilespmem:s2+$0x4870];
	_ =	sdelay $0x4  }
0x17e: {  	[tilespmem:v56+s16+$0x0] =	vst.idx.msk $0xffff, v41  }
0x17f: {  	v57 =	vadd.s32 s26, v25;
	v41 =	vld [tilespmem:s2+$0x4C00];
	_ =	sdelay $0x4  }
0x180: {  	[tilespmem:v57+s16+$0x0] =	vst.idx.msk $0xffff, v41  }
0x181: {  	v58 =	vadd.s32 s26, v26;
	v41 =	vld [tilespmem:s2+$0x4C10];
	_ =	sdelay $0x4  }
0x182: {  	[tilespmem:v58+s16+$0x0] =	vst.idx.msk $0xffff, v41  }
0x183: {  	v59 =	vadd.s32 s26, v27;
	v41 =	vld [tilespmem:s2+$0x4C20];
	_ =	sdelay $0x4  }
0x184: {  	[tilespmem:v59+s16+$0x0] =	vst.idx.msk $0xffff, v41  }
0x185: {  	v60 =	vadd.s32 s26, v28;
	v41 =	vld [tilespmem:s2+$0x4C30];
	_ =	sdelay $0x4  }
0x186: {  	[tilespmem:v60+s16+$0x0] =	vst.idx.msk $0xffff, v41  }
0x187: {  	v61 =	vadd.s32 s26, v29;
	v41 =	vld [tilespmem:s2+$0x4C40];
	_ =	sdelay $0x4  }
0x188: {  	[tilespmem:v61+s16+$0x0] =	vst.idx.msk $0xffff, v41  }
0x189: {  	v62 =	vadd.s32 s26, v30;
	v41 =	vld [tilespmem:s2+$0x4C50];
	_ =	sdelay $0x4  }
0x18a: {  	[tilespmem:v62+s16+$0x0] =	vst.idx.msk $0xffff, v41  }
0x18b: {  	v63 =	vadd.s32 s26, v31;
	v41 =	vld [tilespmem:s2+$0x4C60];
	_ =	sdelay $0x4  }
0x18c: {  	[tilespmem:v63+s16+$0x0] =	vst.idx.msk $0xffff, v41  }
0x18d: {  	v40 =	vadd.s32 s26, v32;
	v41 =	vld [tilespmem:s2+$0x4C70];
	_ =	sdelay $0x2  }
0x18e: {  	s29 =	simm.s32 $0x80;
	s30 =	simm.s32 $0x200;
	s31 =	simm.s32 $0x2  }
0x18f: {  	s28 =	simm.s32 $0x1;
	s1 =	sand.u32 $0x380, s29;
	s2 =	sand.u32 $0x3000, s30  }
.LBB2_8:
0x190: {  	p1 =	sne.s32 s31, $0x1F;
	s2 =	sor.u32 s1, s2;
	[tilespmem:v40+s16+$0x0] =	vst.idx.msk $0xffff, v41  }
0x191: {  	v40 =	vadd.s32 s28, v1;
	v41 =	vld [tilespmem:s2+$0x4000];
	_ =	sdelay $0x4  }
0x192: {  	[tilespmem:v40+s16+$0x0] =	vst.idx.msk $0xffff, v41  }
0x193: {  	v40 =	vadd.s32 s28, v2;
	v41 =	vld [tilespmem:s2+$0x4010];
	_ =	sdelay $0x4  }
0x194: {  	[tilespmem:v40+s16+$0x0] =	vst.idx.msk $0xffff, v41  }
0x195: {  	v40 =	vadd.s32 s28, v3;
	v41 =	vld [tilespmem:s2+$0x4020];
	_ =	sdelay $0x4  }
0x196: {  	[tilespmem:v40+s16+$0x0] =	vst.idx.msk $0xffff, v41  }
0x197: {  	v40 =	vadd.s32 s28, v4;
	v41 =	vld [tilespmem:s2+$0x4030];
	_ =	sdelay $0x4  }
0x198: {  	[tilespmem:v40+s16+$0x0] =	vst.idx.msk $0xffff, v41  }
0x199: {  	v40 =	vadd.s32 s28, v5;
	v41 =	vld [tilespmem:s2+$0x4040];
	_ =	sdelay $0x4  }
0x19a: {  	[tilespmem:v40+s16+$0x0] =	vst.idx.msk $0xffff, v41  }
0x19b: {  	v40 =	vadd.s32 s28, v6;
	v41 =	vld [tilespmem:s2+$0x4050];
	_ =	sdelay $0x4  }
0x19c: {  	[tilespmem:v40+s16+$0x0] =	vst.idx.msk $0xffff, v41  }
0x19d: {  	v40 =	vadd.s32 s28, v7;
	v41 =	vld [tilespmem:s2+$0x4060];
	_ =	sdelay $0x4  }
0x19e: {  	[tilespmem:v40+s16+$0x0] =	vst.idx.msk $0xffff, v41  }
0x19f: {  	v40 =	vadd.s32 s28, v8;
	v41 =	vld [tilespmem:s2+$0x4070];
	_ =	sdelay $0x4  }
0x1a0: {  	[tilespmem:v40+s16+$0x0] =	vst.idx.msk $0xffff, v41  }
0x1a1: {  	v40 =	vadd.s32 s28, v9;
	v41 =	vld [tilespmem:s2+$0x4400];
	_ =	sdelay $0x4  }
0x1a2: {  	[tilespmem:v40+s16+$0x0] =	vst.idx.msk $0xffff, v41  }
0x1a3: {  	v40 =	vadd.s32 s28, v10;
	v41 =	vld [tilespmem:s2+$0x4410];
	_ =	sdelay $0x4  }
0x1a4: {  	[tilespmem:v40+s16+$0x0] =	vst.idx.msk $0xffff, v41  }
0x1a5: {  	v40 =	vadd.s32 s28, v11;
	v41 =	vld [tilespmem:s2+$0x4420];
	_ =	sdelay $0x4  }
0x1a6: {  	[tilespmem:v40+s16+$0x0] =	vst.idx.msk $0xffff, v41  }
0x1a7: {  	v40 =	vadd.s32 s28, v12;
	v41 =	vld [tilespmem:s2+$0x4430];
	_ =	sdelay $0x4  }
0x1a8: {  	[tilespmem:v40+s16+$0x0] =	vst.idx.msk $0xffff, v41  }
0x1a9: {  	v40 =	vadd.s32 s28, v13;
	v41 =	vld [tilespmem:s2+$0x4440];
	_ =	sdelay $0x4  }
0x1aa: {  	[tilespmem:v40+s16+$0x0] =	vst.idx.msk $0xffff, v41  }
0x1ab: {  	v40 =	vadd.s32 s28, v14;
	v41 =	vld [tilespmem:s2+$0x4450];
	_ =	sdelay $0x4  }
0x1ac: {  	[tilespmem:v40+s16+$0x0] =	vst.idx.msk $0xffff, v41  }
0x1ad: {  	v40 =	vadd.s32 s28, v15;
	v41 =	vld [tilespmem:s2+$0x4460];
	_ =	sdelay $0x4  }
0x1ae: {  	[tilespmem:v40+s16+$0x0] =	vst.idx.msk $0xffff, v41  }
0x1af: {  	v40 =	vadd.s32 s28, v16;
	v41 =	vld [tilespmem:s2+$0x4470];
	_ =	sdelay $0x4  }
0x1b0: {  	[tilespmem:v40+s16+$0x0] =	vst.idx.msk $0xffff, v41  }
0x1b1: {  	v40 =	vadd.s32 s28, v17;
	v41 =	vld [tilespmem:s2+$0x4800];
	_ =	sdelay $0x4  }
0x1b2: {  	[tilespmem:v40+s16+$0x0] =	vst.idx.msk $0xffff, v41  }
0x1b3: {  	v40 =	vadd.s32 s28, v18;
	v41 =	vld [tilespmem:s2+$0x4810];
	_ =	sdelay $0x4  }
0x1b4: {  	[tilespmem:v40+s16+$0x0] =	vst.idx.msk $0xffff, v41  }
0x1b5: {  	v40 =	vadd.s32 s28, v19;
	v41 =	vld [tilespmem:s2+$0x4820];
	_ =	sdelay $0x4  }
0x1b6: {  	[tilespmem:v40+s16+$0x0] =	vst.idx.msk $0xffff, v41  }
0x1b7: {  	v40 =	vadd.s32 s28, v20;
	v41 =	vld [tilespmem:s2+$0x4830];
	_ =	sdelay $0x4  }
0x1b8: {  	[tilespmem:v40+s16+$0x0] =	vst.idx.msk $0xffff, v41  }
0x1b9: {  	v40 =	vadd.s32 s28, v21;
	v41 =	vld [tilespmem:s2+$0x4840];
	_ =	sdelay $0x4  }
0x1ba: {  	[tilespmem:v40+s16+$0x0] =	vst.idx.msk $0xffff, v41  }
0x1bb: {  	v40 =	vadd.s32 s28, v22;
	v41 =	vld [tilespmem:s2+$0x4850];
	_ =	sdelay $0x4  }
0x1bc: {  	[tilespmem:v40+s16+$0x0] =	vst.idx.msk $0xffff, v41  }
0x1bd: {  	v40 =	vadd.s32 s28, v23;
	v41 =	vld [tilespmem:s2+$0x4860];
	_ =	sdelay $0x4  }
0x1be: {  	[tilespmem:v40+s16+$0x0] =	vst.idx.msk $0xffff, v41  }
0x1bf: {  	v40 =	vadd.s32 s28, v24;
	v41 =	vld [tilespmem:s2+$0x4870];
	_ =	sdelay $0x4  }
0x1c0: {  	[tilespmem:v40+s16+$0x0] =	vst.idx.msk $0xffff, v41  }
0x1c1: {  	v40 =	vadd.s32 s28, v25;
	v41 =	vld [tilespmem:s2+$0x4C00];
	_ =	sdelay $0x4  }
0x1c2: {  	[tilespmem:v40+s16+$0x0] =	vst.idx.msk $0xffff, v41  }
0x1c3: {  	v40 =	vadd.s32 s28, v26;
	v41 =	vld [tilespmem:s2+$0x4C10];
	_ =	sdelay $0x4  }
0x1c4: {  	[tilespmem:v40+s16+$0x0] =	vst.idx.msk $0xffff, v41  }
0x1c5: {  	v40 =	vadd.s32 s28, v27;
	v41 =	vld [tilespmem:s2+$0x4C20];
	_ =	sdelay $0x4  }
0x1c6: {  	[tilespmem:v40+s16+$0x0] =	vst.idx.msk $0xffff, v41  }
0x1c7: {  	v40 =	vadd.s32 s28, v28;
	v41 =	vld [tilespmem:s2+$0x4C30];
	_ =	sdelay $0x4  }
0x1c8: {  	[tilespmem:v40+s16+$0x0] =	vst.idx.msk $0xffff, v41  }
0x1c9: {  	v40 =	vadd.s32 s28, v29;
	v41 =	vld [tilespmem:s2+$0x4C40];
	_ =	sdelay $0x4  }
0x1ca: {  	[tilespmem:v40+s16+$0x0] =	vst.idx.msk $0xffff, v41  }
0x1cb: {  	v40 =	vadd.s32 s28, v30;
	v41 =	vld [tilespmem:s2+$0x4C50];
	_ =	sdelay $0x4  }
0x1cc: {  	[tilespmem:v40+s16+$0x0] =	vst.idx.msk $0xffff, v41  }
0x1cd: {  	v40 =	vadd.s32 s28, v31;
	v41 =	vld [tilespmem:s2+$0x4C60];
	_ =	sdelay $0x4  }
0x1ce: {  	[tilespmem:v40+s16+$0x0] =	vst.idx.msk $0xffff, v41  }
.Ltmp7:
0x1cf: {  	v40 =	vadd.s32 s28, v32;
	s28 =	smov.u32 s31;
	v41 =	vld [tilespmem:s2+$0x4C70];
	(pc) =	sbr.rel @p1 .LBB2_8-.Ltmp7, $3  }
0x1d0: {  	_ =	sdelay $0x1  }
0x1d1: {  	s29 =	sadd.s32 $0x80, s29;
	s30 =	sadd.s32 $0x200, s30  }
0x1d2: {  	s1 =	sand.u32 $0x380, s29;
	s31 =	sadd.s32 $0x1, s31;
	s2 =	sand.u32 $0x3000, s30  }
0x1d3: {  	_ =	sdelay $0x3  }
0x1d4: {  	s2 =	sor.u32 s1, s2;
	[tilespmem:v40+s16+$0x0] =	vst.idx.msk $0xffff, v41  }
0x1d5: {  	v45 =	vadd.s32 s28, v1;
	v41 =	vld [tilespmem:s2+$0x4000];
	_ =	sdelay $0x4  }
0x1d6: {  	[tilespmem:v45+s16+$0x0] =	vst.idx.msk $0xffff, v41  }
0x1d7: {  	v46 =	vadd.s32 s28, v2;
	v41 =	vld [tilespmem:s2+$0x4010];
	_ =	sdelay $0x4  }
0x1d8: {  	[tilespmem:v46+s16+$0x0] =	vst.idx.msk $0xffff, v41  }
0x1d9: {  	v47 =	vadd.s32 s28, v3;
	v41 =	vld [tilespmem:s2+$0x4020];
	_ =	sdelay $0x4  }
0x1da: {  	[tilespmem:v47+s16+$0x0] =	vst.idx.msk $0xffff, v41  }
0x1db: {  	v48 =	vadd.s32 s28, v4;
	v41 =	vld [tilespmem:s2+$0x4030];
	_ =	sdelay $0x4  }
0x1dc: {  	[tilespmem:v48+s16+$0x0] =	vst.idx.msk $0xffff, v41  }
0x1dd: {  	v49 =	vadd.s32 s28, v5;
	v41 =	vld [tilespmem:s2+$0x4040];
	_ =	sdelay $0x4  }
0x1de: {  	[tilespmem:v49+s16+$0x0] =	vst.idx.msk $0xffff, v41  }
0x1df: {  	v50 =	vadd.s32 s28, v6;
	v41 =	vld [tilespmem:s2+$0x4050];
	_ =	sdelay $0x4  }
0x1e0: {  	[tilespmem:v50+s16+$0x0] =	vst.idx.msk $0xffff, v41  }
0x1e1: {  	v51 =	vadd.s32 s28, v7;
	v41 =	vld [tilespmem:s2+$0x4060];
	_ =	sdelay $0x4  }
0x1e2: {  	[tilespmem:v51+s16+$0x0] =	vst.idx.msk $0xffff, v41  }
0x1e3: {  	v52 =	vadd.s32 s28, v8;
	v41 =	vld [tilespmem:s2+$0x4070];
	_ =	sdelay $0x4  }
0x1e4: {  	[tilespmem:v52+s16+$0x0] =	vst.idx.msk $0xffff, v41  }
0x1e5: {  	v53 =	vadd.s32 s28, v9;
	v41 =	vld [tilespmem:s2+$0x4400];
	_ =	sdelay $0x4  }
0x1e6: {  	[tilespmem:v53+s16+$0x0] =	vst.idx.msk $0xffff, v41  }
0x1e7: {  	v54 =	vadd.s32 s28, v10;
	v41 =	vld [tilespmem:s2+$0x4410];
	_ =	sdelay $0x4  }
0x1e8: {  	[tilespmem:v54+s16+$0x0] =	vst.idx.msk $0xffff, v41  }
0x1e9: {  	v55 =	vadd.s32 s28, v11;
	v41 =	vld [tilespmem:s2+$0x4420];
	_ =	sdelay $0x4  }
0x1ea: {  	[tilespmem:v55+s16+$0x0] =	vst.idx.msk $0xffff, v41  }
0x1eb: {  	v56 =	vadd.s32 s28, v12;
	v41 =	vld [tilespmem:s2+$0x4430];
	_ =	sdelay $0x4  }
0x1ec: {  	[tilespmem:v56+s16+$0x0] =	vst.idx.msk $0xffff, v41  }
0x1ed: {  	v57 =	vadd.s32 s28, v13;
	v41 =	vld [tilespmem:s2+$0x4440];
	_ =	sdelay $0x4  }
0x1ee: {  	[tilespmem:v57+s16+$0x0] =	vst.idx.msk $0xffff, v41  }
0x1ef: {  	v58 =	vadd.s32 s28, v14;
	v41 =	vld [tilespmem:s2+$0x4450];
	_ =	sdelay $0x4  }
0x1f0: {  	[tilespmem:v58+s16+$0x0] =	vst.idx.msk $0xffff, v41  }
0x1f1: {  	v59 =	vadd.s32 s28, v15;
	v41 =	vld [tilespmem:s2+$0x4460];
	_ =	sdelay $0x4  }
0x1f2: {  	[tilespmem:v59+s16+$0x0] =	vst.idx.msk $0xffff, v41  }
0x1f3: {  	v60 =	vadd.s32 s28, v16;
	v41 =	vld [tilespmem:s2+$0x4470];
	_ =	sdelay $0x4  }
0x1f4: {  	[tilespmem:v60+s16+$0x0] =	vst.idx.msk $0xffff, v41  }
0x1f5: {  	v61 =	vadd.s32 s28, v17;
	v41 =	vld [tilespmem:s2+$0x4800];
	_ =	sdelay $0x4  }
0x1f6: {  	[tilespmem:v61+s16+$0x0] =	vst.idx.msk $0xffff, v41  }
0x1f7: {  	v62 =	vadd.s32 s28, v18;
	v41 =	vld [tilespmem:s2+$0x4810];
	_ =	sdelay $0x4  }
0x1f8: {  	[tilespmem:v62+s16+$0x0] =	vst.idx.msk $0xffff, v41  }
0x1f9: {  	v63 =	vadd.s32 s28, v19;
	v41 =	vld [tilespmem:s2+$0x4820];
	_ =	sdelay $0x4  }
0x1fa: {  	[tilespmem:v63+s16+$0x0] =	vst.idx.msk $0xffff, v41  }
0x1fb: {  	v44 =	vadd.s32 s28, v20;
	v41 =	vld [tilespmem:s2+$0x4830];
	_ =	sdelay $0x4  }
0x1fc: {  	[tilespmem:v44+s16+$0x0] =	vst.idx.msk $0xffff, v41  }
0x1fd: {  	v45 =	vadd.s32 s28, v21;
	v41 =	vld [tilespmem:s2+$0x4840];
	_ =	sdelay $0x4  }
0x1fe: {  	[tilespmem:v45+s16+$0x0] =	vst.idx.msk $0xffff, v41  }
0x1ff: {  	v46 =	vadd.s32 s28, v22;
	v41 =	vld [tilespmem:s2+$0x4850];
	_ =	sdelay $0x4  }
0x200: {  	[tilespmem:v46+s16+$0x0] =	vst.idx.msk $0xffff, v41  }
0x201: {  	v47 =	vadd.s32 s28, v23;
	v41 =	vld [tilespmem:s2+$0x4860];
	_ =	sdelay $0x4  }
0x202: {  	[tilespmem:v47+s16+$0x0] =	vst.idx.msk $0xffff, v41  }
0x203: {  	v48 =	vadd.s32 s28, v24;
	v41 =	vld [tilespmem:s2+$0x4870];
	_ =	sdelay $0x4  }
0x204: {  	[tilespmem:v48+s16+$0x0] =	vst.idx.msk $0xffff, v41  }
0x205: {  	v49 =	vadd.s32 s28, v25;
	v41 =	vld [tilespmem:s2+$0x4C00];
	_ =	sdelay $0x4  }
0x206: {  	[tilespmem:v49+s16+$0x0] =	vst.idx.msk $0xffff, v41  }
0x207: {  	v50 =	vadd.s32 s28, v26;
	v41 =	vld [tilespmem:s2+$0x4C10];
	_ =	sdelay $0x4  }
0x208: {  	[tilespmem:v50+s16+$0x0] =	vst.idx.msk $0xffff, v41  }
0x209: {  	v51 =	vadd.s32 s28, v27;
	v41 =	vld [tilespmem:s2+$0x4C20];
	_ =	sdelay $0x4  }
0x20a: {  	[tilespmem:v51+s16+$0x0] =	vst.idx.msk $0xffff, v41  }
0x20b: {  	v52 =	vadd.s32 s28, v28;
	v41 =	vld [tilespmem:s2+$0x4C30];
	_ =	sdelay $0x4  }
0x20c: {  	[tilespmem:v52+s16+$0x0] =	vst.idx.msk $0xffff, v41  }
0x20d: {  	v53 =	vadd.s32 s28, v29;
	v41 =	vld [tilespmem:s2+$0x4C40];
	_ =	sdelay $0x4  }
0x20e: {  	[tilespmem:v53+s16+$0x0] =	vst.idx.msk $0xffff, v41  }
0x20f: {  	v54 =	vadd.s32 s28, v30;
	v41 =	vld [tilespmem:s2+$0x4C50];
	_ =	sdelay $0x4  }
0x210: {  	[tilespmem:v54+s16+$0x0] =	vst.idx.msk $0xffff, v41  }
0x211: {  	v55 =	vadd.s32 s28, v31;
	v41 =	vld [tilespmem:s2+$0x4C60];
	_ =	sdelay $0x4  }
0x212: {  	[tilespmem:v55+s16+$0x0] =	vst.idx.msk $0xffff, v41  }
0x213: {  	v56 =	vadd.s32 s28, v32;
	v41 =	vld [tilespmem:s2+$0x4C70]  }
0x214: {  	v42 =	vadd.s32 s26, v0;
	_ =	sdelay $0x3  }
0x215: {  	[tilespmem:v56+s16+$0x0] =	vst.idx.msk $0xffff, v41  }
0x216: {  	v40 =	vld.idx.msk [tilespmem:v42+s16+$0x0], $0xffff  }
0x217: {  	v57 =	vadd.s32 s26, v33;
	_ =	sdelay $0x2  }
0x218: {  	s2 =	simm.s32 $0xC040  }
0x219: {  	[tilespmem:s2+$0xFFFFFFC0] =	vst v40  }
0x21a: {  	v40 =	vld.idx.msk [tilespmem:v57+s16+$0x0], $0xffff  }
0x21b: {  	v58 =	vadd.s32 s26, v34;
	_ =	sdelay $0x3  }
0x21c: {  	[tilespmem:s2+$0xFFFFFFD0] =	vst v40  }
0x21d: {  	v40 =	vld.idx.msk [tilespmem:v58+s16+$0x0], $0xffff  }
0x21e: {  	v59 =	vadd.s32 s26, v35;
	_ =	sdelay $0x3  }
0x21f: {  	[tilespmem:s2+$0xFFFFFFE0] =	vst v40  }
0x220: {  	v40 =	vld.idx.msk [tilespmem:v59+s16+$0x0], $0xffff  }
0x221: {  	v60 =	vadd.s32 s26, v36;
	_ =	sdelay $0x3  }
0x222: {  	[tilespmem:s2+$0xFFFFFFF0] =	vst v40  }
0x223: {  	v40 =	vld.idx.msk [tilespmem:v60+s16+$0x0], $0xffff  }
0x224: {  	v61 =	vadd.s32 s26, v37;
	_ =	sdelay $0x3  }
0x225: {  	[tilespmem:s2+$0x0] =	vst v40  }
0x226: {  	v40 =	vld.idx.msk [tilespmem:v61+s16+$0x0], $0xffff  }
0x227: {  	v62 =	vadd.s32 s26, v38;
	_ =	sdelay $0x3  }
0x228: {  	[tilespmem:s2+$0x10] =	vst v40  }
0x229: {  	v40 =	vld.idx.msk [tilespmem:v62+s16+$0x0], $0xffff  }
0x22a: {  	v63 =	vadd.s32 s26, v39;
	_ =	sdelay $0x3  }
0x22b: {  	[tilespmem:s2+$0x20] =	vst v40  }
0x22c: {  	s26 =	simm.s32 $0x84;
	v40 =	vld.idx.msk [tilespmem:v63+s16+$0x0], $0xffff  }
0x22d: {  	s28 =	simm.s32 $0x108;
	v41 =	vadd.s32 s26, v0  }
.LBB2_10:
0x22e: {  	p1 =	sne.s32 s28, $0x417C;
	_ =	sdelay $0x2  }
0x22f: {  	[tilespmem:s2+$0x30] =	vst v40  }
0x230: {  	v40 =	vld.idx.msk [tilespmem:v41+s16+$0x0], $0xffff;
	_ =	sdelay $0x1  }
0x231: {  	v41 =	vadd.s32 s26, v33;
	_ =	sdelay $0x2  }
0x232: {  	s2 =	sadd.s32 $0x80, s2  }
0x233: {  	[tilespmem:s2+$0xFFFFFFC0] =	vst v40  }
0x234: {  	v40 =	vld.idx.msk [tilespmem:v41+s16+$0x0], $0xffff;
	_ =	sdelay $0x1  }
0x235: {  	v41 =	vadd.s32 s26, v34;
	_ =	sdelay $0x3  }
0x236: {  	[tilespmem:s2+$0xFFFFFFD0] =	vst v40  }
0x237: {  	v40 =	vld.idx.msk [tilespmem:v41+s16+$0x0], $0xffff;
	_ =	sdelay $0x1  }
0x238: {  	v41 =	vadd.s32 s26, v35;
	_ =	sdelay $0x3  }
0x239: {  	[tilespmem:s2+$0xFFFFFFE0] =	vst v40  }
0x23a: {  	v40 =	vld.idx.msk [tilespmem:v41+s16+$0x0], $0xffff;
	_ =	sdelay $0x1  }
0x23b: {  	v41 =	vadd.s32 s26, v36;
	_ =	sdelay $0x3  }
0x23c: {  	[tilespmem:s2+$0xFFFFFFF0] =	vst v40  }
0x23d: {  	v40 =	vld.idx.msk [tilespmem:v41+s16+$0x0], $0xffff;
	_ =	sdelay $0x1  }
0x23e: {  	v41 =	vadd.s32 s26, v37;
	_ =	sdelay $0x3  }
0x23f: {  	[tilespmem:s2+$0x0] =	vst v40  }
0x240: {  	v40 =	vld.idx.msk [tilespmem:v41+s16+$0x0], $0xffff;
	_ =	sdelay $0x1  }
0x241: {  	v41 =	vadd.s32 s26, v38;
	_ =	sdelay $0x3  }
0x242: {  	[tilespmem:s2+$0x10] =	vst v40  }
0x243: {  	v40 =	vld.idx.msk [tilespmem:v41+s16+$0x0], $0xffff;
	_ =	sdelay $0x1  }
0x244: {  	v41 =	vadd.s32 s26, v39;
	s26 =	smov.u32 s28;
	_ =	sdelay $0x2  }
.Ltmp8:
0x245: {  	(pc) =	sbr.rel @p1 .LBB2_10-.Ltmp8, $3  }
0x246: {  	[tilespmem:s2+$0x20] =	vst v40  }
0x247: {  	v40 =	vld.idx.msk [tilespmem:v41+s16+$0x0], $0xffff;
	_ =	sdelay $0x1  }
0x248: {  	s28 =	sadd.s32 $0x84, s28;
	v41 =	vadd.s32 s26, v0  }
0x249: {  	_ =	sdelay $0x2  }
0x24a: {  	[tilespmem:s2+$0x30] =	vst v40  }
0x24b: {  	v40 =	vld.idx.msk [tilespmem:v41+s16+$0x0], $0xffff  }
0x24c: {  	v57 =	vadd.s32 s26, v33;
	_ =	sdelay $0x2  }
0x24d: {  	s1 =	sadd.s32 $0x80, s2  }
0x24e: {  	[tilespmem:s1+$0xFFFFFFC0] =	vst v40  }
0x24f: {  	v40 =	vld.idx.msk [tilespmem:v57+s16+$0x0], $0xffff  }
0x250: {  	v58 =	vadd.s32 s26, v34;
	_ =	sdelay $0x3  }
0x251: {  	[tilespmem:s1+$0xFFFFFFD0] =	vst v40  }
0x252: {  	v40 =	vld.idx.msk [tilespmem:v58+s16+$0x0], $0xffff  }
0x253: {  	v59 =	vadd.s32 s26, v35;
	_ =	sdelay $0x3  }
0x254: {  	[tilespmem:s1+$0xFFFFFFE0] =	vst v40  }
0x255: {  	v40 =	vld.idx.msk [tilespmem:v59+s16+$0x0], $0xffff  }
0x256: {  	v60 =	vadd.s32 s26, v36;
	_ =	sdelay $0x3  }
0x257: {  	[tilespmem:s1+$0xFFFFFFF0] =	vst v40  }
0x258: {  	v40 =	vld.idx.msk [tilespmem:v60+s16+$0x0], $0xffff  }
0x259: {  	v61 =	vadd.s32 s26, v37;
	_ =	sdelay $0x3  }
0x25a: {  	[tilespmem:s1+$0x0] =	vst v40  }
0x25b: {  	v40 =	vld.idx.msk [tilespmem:v61+s16+$0x0], $0xffff  }
0x25c: {  	v62 =	vadd.s32 s26, v38;
	_ =	sdelay $0x3  }
0x25d: {  	[tilespmem:s1+$0x10] =	vst v40  }
0x25e: {  	v40 =	vld.idx.msk [tilespmem:v62+s16+$0x0], $0xffff  }
0x25f: {  	v63 =	vadd.s32 s26, v39;
	_ =	sdelay $0x3  }
0x260: {  	[tilespmem:s1+$0x20] =	vst v40  }
0x261: {  	v40 =	vld.idx.msk [tilespmem:v63+s16+$0x0], $0xffff;
	_ =	sdelay $0x3  }
.Ltmp9:
0x262: {  	s30 =	sshll.u32 s25, $0xB;
	p1 =	sgt.u32 s24, $0x740;
	(pc) =	sbr.rel .LBB2_12-.Ltmp9, $4  }
0x263: {  	s31 =	sadd.s32 s3, s30;
	s25 =	simm.s32 @!p1 $0x4000;
	[tilespmem:s1+$0x30] =	vst v40;
	s1 =	sshll.u32 @!p1 s24, $0x9  }
0x264: {  	[hbm4b:s31+s4] =	stream.linear.scatter [tilespmem:s19], [sflag:$0x4], $0x4000, $0x38;
	[tilespmem:$0x14200] =	vst v63  }
0x265: {  	s2 =	simm.s32 @!p1 $0x1000;
	s24 =	simm.s32 @!p1 $0x7A1400;
	s1 =	sadd.s32 @!p1 s1, s9  }
0x266: {  	[tilespmem:s25], [sflag:$0x2] =	stream.strided.gather @!p1 [hbm4b:s1+s2], $0x4000, s24, s2, $0x38;
	[tilespmem:$0x14200] =	vst v63  }
.LBB2_14:
0x267: {  	_ =	sfence.sel $0x180000  }
0x268: {  	[bflag:$0x0] =	sbarrier.arrive $0xFFFF  }
0x269: {  	_ =	strace $0x90000047  }
0x26a: {  	s0 =	stileid.u32;
	[bflag:$0x2] =	sbarrier.arrive $0xFFFF  }
0x26b: {  	p0 =	sne.s32 s0, $0x0;
	s0 =	rddreg [dreg:$0x3]  }
0x26c: {  	s0 =	sadd.s32 @!p0 $0x100000, s0  }
0x26d: {  	[sflag:s0] =	ssyncadd.tile.s32 @!p0 $0x1;
	_ =	shalt  }
.Lfunc_end2:
_tile_overlayer_lowered:
.L_overlay_start_2:
0x26e: {  	(tag) =	ssettag $0x2  }
0x26f: {  	s0 =	rddreg [dreg:$0x0];
	s2 =	stileid.u32  }
0x270: {  	s1 =	rddreg [dreg:$0x1];
	p0 =	sne.s32 s2, $0x0  }
0x271: {  	s3 =	rddreg [dreg:$0x2];
	[bflag:$0x3] =	sbarrier.arrive $0xFFFF;
	s2 =	simm.s32 @!p0 $0x1C05  }
0x272: {  	[timem:s3], [sflag:s2] =	dma.local @!p0 [hbm:s0], s1  }
0x273: {  	s0 =	simm.s32 @!p0 $0x5  }
0x274: {  	_ =	swait.ge @!p0 [sflag:s0], s1  }
0x275: {  	s1 =	ssub.s32 @!p0 $0x0, s1;
	[sflag:s0] =	ssyncset.done @!p0 $0x0  }
0x276: {  	[sflag:s0] =	ssyncadd.s32 @!p0 s1  }
0x277: {  	[bflag:$0x3] =	sbarrier.arrive $0xFFFF  }
0x278: {  	_ =	shalt  }

</sc_bundles>
